<compile_context>
chip_gen: v7x
topology: tpu7x:2x2x1
jax: 0.10.2.dev20260603
libtpu: 0.0.44.dev20260713+nightly
codegen_flags: <defaults>
</compile_context>

<pallas_src>
import functools

import jax
import jax.numpy as jnp
from jax import lax
from jax.experimental import pallas as pl
from jax.experimental.pallas import tpu as pltpu
from jax.experimental.pallas import tpu_sc as plsc

N = 10000
F = 116
FP = 128
H = 256
G = 64
E = 640000

NPAD = 10240
NC, NS = 2, 16
NW = NC * NS
B = 128
NB = 157
EPT = NB * B
EPAD = EPT * NW
RPT = NPAD // NS
RB = 512
NRB = NPAD // RB

def _deg_body(dst3_hbm, deg_out, didx_all, deg_priv, semi):
    c = lax.axis_index("c")
    s = lax.axis_index("s")
    wid = c * NS + s
    pltpu.async_copy(dst3_hbm.at[wid], didx_all, semi)
    z16 = jnp.zeros((16,), jnp.float32)

    def zbody(i, carry):
        deg_priv[pl.ds(i * 16, 16)] = z16
        return carry

    lax.fori_loop(0, NPAD // 16, zbody, 0)
    pltpu.make_async_copy(dst3_hbm.at[wid], didx_all, semi).wait()

    ones16 = jnp.ones((16,), jnp.float32)

    def body(j, carry):
        for k in range(B // 16):
            idx16 = didx_all[j, pl.ds(k * 16, 16)]
            plsc.addupdate_scatter(deg_priv, [idx16], ones16)
        return carry

    lax.fori_loop(0, NB, body, 0)
    pltpu.sync_copy(deg_priv, deg_out.at[wid])


def _raw_body(src3_hbm, dst3_hbm, xs_hbm, zf_hbm, raw_out,
              sidx2, didx2, rows2, raw_sh, semg):
    c = lax.axis_index("c")
    s = lax.axis_index("s")
    wid = c * NS + s
    stripe = pl.ds(s * RPT, RPT)
    pltpu.sync_copy(zf_hbm.at[stripe], raw_sh.at[stripe])
    plsc.subcore_barrier()

    pltpu.sync_copy(src3_hbm.at[wid, 0], sidx2.at[0])
    pltpu.sync_copy(dst3_hbm.at[wid, 0], didx2.at[0])
    pltpu.async_copy(xs_hbm.at[c].at[sidx2.at[0]], rows2.at[0], semg.at[0])

    def body(j, carry):
        p = j % 2
        nxt = j + 1

        @pl.when(nxt < NB)
        def _():
            q = nxt % 2
            pltpu.sync_copy(src3_hbm.at[wid, nxt], sidx2.at[q])
            pltpu.sync_copy(dst3_hbm.at[wid, nxt], didx2.at[q])
            pltpu.async_copy(xs_hbm.at[c].at[sidx2.at[q]], rows2.at[q], semg.at[q])

        pltpu.make_async_copy(xs_hbm.at[c].at[sidx2.at[p]], rows2.at[p], semg.at[p]).wait()
        pltpu.sync_copy(rows2.at[p], raw_sh.at[didx2.at[p]], add=True)
        return carry

    lax.fori_loop(0, NB, body, 0)
    plsc.subcore_barrier()
    pltpu.sync_copy(raw_sh.at[stripe], raw_out.at[c, stripe])


@functools.cache
def _sc_kernels():
    mesh = plsc.VectorSubcoreMesh(core_axis_name="c", subcore_axis_name="s",
                                  num_cores=NC, num_subcores=NS)
    deg_kernel = pl.kernel(
        _deg_body,
        out_type=jax.ShapeDtypeStruct((NW, NPAD), jnp.float32),
        mesh=mesh,
        scratch_types=[
            pltpu.VMEM((NB, B), jnp.int32),
            pltpu.VMEM((NPAD,), jnp.float32),
            pltpu.SemaphoreType.DMA,
        ],
        compiler_params=pltpu.CompilerParams(needs_layout_passes=False),
    )
    raw_kernel = pl.kernel(
        _raw_body,
        out_type=jax.ShapeDtypeStruct((NC, NPAD, FP), jnp.float32),
        mesh=mesh,
        scratch_types=[
            pltpu.VMEM((2, B), jnp.int32),
            pltpu.VMEM((2, B), jnp.int32),
            pltpu.VMEM((2, B, FP), jnp.float32),
            pltpu.VMEM_SHARED((NPAD, FP), jnp.float32),
            pltpu.SemaphoreType.DMA((2,)),
        ],
    )
    return deg_kernel, raw_kernel


def _prep_body(dall_ref, x_ref, xs_ref, dinv_ref):
    dsum = lax.dot_general(dall_ref[...], jnp.ones((NW, 1), jnp.float32),
                           (((0,), (0,)), ((), ())),
                           preferred_element_type=jnp.float32)
    dinv = lax.rsqrt(dsum + 1.0)
    dinv_ref[...] = dinv
    xsv = x_ref[...] * dinv
    xs_ref[0] = xsv
    xs_ref[1] = xsv


_prep = pl.pallas_call(
    _prep_body,
    grid=(NRB,),
    in_specs=[
        pl.BlockSpec((NW, RB), lambda i: (0, i)),
        pl.BlockSpec((RB, FP), lambda i: (i, 0)),
    ],
    out_specs=[
        pl.BlockSpec((NC, RB, FP), lambda i: (0, i, 0)),
        pl.BlockSpec((RB, 1), lambda i: (i, 0)),
    ],
    out_shape=[
        jax.ShapeDtypeStruct((NC, NPAD, FP), jnp.float32),
        jax.ShapeDtypeStruct((NPAD, 1), jnp.float32),
    ],
)


def _final_body(r0_ref, r1_ref, xs_ref, dinv_ref, b3_ref, W1_ref, b1_ref,
                Wl_ref, bl_ref, xt_ref, pooled_ref, acc, cnt):
    i = pl.program_id(0)

    @pl.when(i == 0)
    def _():
        acc[...] = jnp.zeros_like(acc)
        cnt[...] = jnp.zeros_like(cnt)

    agg = dinv_ref[...] * (r0_ref[...] + r1_ref[...] + xs_ref[...])
    h = jnp.dot(agg, W1_ref[...], preferred_element_type=jnp.float32) + b1_ref[...]
    h = jnp.maximum(h, 0.0)
    b = b3_ref[0, 0, :]
    oh_t = (lax.broadcasted_iota(jnp.int32, (G, RB), 0) == b[None, :]).astype(jnp.float32)
    acc[...] += jnp.dot(oh_t, h, preferred_element_type=jnp.float32)
    cnt[...] += jnp.dot(oh_t, jnp.ones((RB, H), jnp.float32), preferred_element_type=jnp.float32)

    @pl.when(i == pl.num_programs(0) - 1)
    def _():
        pooled = acc[...] / jnp.maximum(cnt[...], 1.0)
        pooled_ref[...] = pooled
        xt_ref[...] = jnp.dot(pooled, Wl_ref[...], preferred_element_type=jnp.float32) + bl_ref[...]


_final = pl.pallas_call(
    _final_body,
    grid=(NRB,),
    in_specs=[
        pl.BlockSpec((RB, FP), lambda i: (i, 0)),
        pl.BlockSpec((RB, FP), lambda i: (i, 0)),
        pl.BlockSpec((RB, FP), lambda i: (i, 0)),
        pl.BlockSpec((RB, 1), lambda i: (i, 0)),
        pl.BlockSpec((1, 1, RB), lambda i: (i, 0, 0)),
        pl.BlockSpec((FP, H), lambda i: (0, 0)),
        pl.BlockSpec((1, H), lambda i: (0, 0)),
        pl.BlockSpec((H, 2), lambda i: (0, 0)),
        pl.BlockSpec((1, 2), lambda i: (0, 0)),
    ],
    out_specs=[
        pl.BlockSpec((G, 2), lambda i: (0, 0)),
        pl.BlockSpec((G, H), lambda i: (0, 0)),
    ],
    out_shape=[
        jax.ShapeDtypeStruct((G, 2), jnp.float32),
        jax.ShapeDtypeStruct((G, H), jnp.float32),
    ],
    scratch_shapes=[
        pltpu.VMEM((G, H), jnp.float32),
        pltpu.VMEM((G, H), jnp.float32),
    ],
)


def kernel(x, edge_index, batch, W1, b1, W_lin, b_lin):
    f32 = jnp.float32
    x_pad = jnp.zeros((NPAD, FP), f32).at[:N, :F].set(x)
    fill = jnp.full((EPAD - E,), NPAD - 1, jnp.int32)
    src3 = jnp.concatenate([edge_index[0], fill]).reshape(NW, NB, B)
    dst3 = jnp.concatenate([edge_index[1], fill]).reshape(NW, NB, B)
    zf = jnp.zeros((NPAD, FP), f32)

    deg_kernel, raw_kernel = _sc_kernels()
    deg_all = deg_kernel(dst3)
    xs, dinv = _prep(deg_all, x_pad)
    raws = raw_kernel(src3, dst3, xs, zf)

    batch_pad = jnp.concatenate([batch, jnp.full((NPAD - N,), G, jnp.int32)])
    batch3 = batch_pad.reshape(NRB, 1, RB)
    W1p = jnp.zeros((FP, H), f32).at[:F].set(W1)

    x_t, pooled = _final(raws[0], raws[1], xs[0], dinv, batch3, W1p,
                         b1.reshape(1, H), W_lin, b_lin.reshape(1, 2))
    return (x_t, pooled)

# --- scband reference (transcript-rebuilt; emitter-appended) ---
"""Pipeline reference for scband-gcn-88648124991291 (READ-ONLY COPY).

The authoritative reference and input builder live on the scoring server;
editing this copy changes nothing except your own understanding.
"""

import jax, jax.numpy as jnp
import numpy as np

N = 10000
E = 640000
F_IN = 116
H = 256
G = 64


def setup_inputs(seed: int = 0) -> dict:
    key = jax.random.key(seed)
    ks = jax.random.split(key, 8)
    x = jax.random.normal(ks[0], (N, F_IN), dtype=jnp.float32)
    edge_index = jax.random.randint(ks[1], (2, E), 0, N, dtype=jnp.int32)
    batch = jnp.sort(jax.random.randint(ks[2], (N,), 0, G, dtype=jnp.int32))
    W1 = jax.random.normal(ks[3], (F_IN, H), dtype=jnp.float32) * (1.0 / np.sqrt(F_IN))
    b1 = jnp.zeros((H,), dtype=jnp.float32)
    W_lin = jax.random.normal(ks[4], (H, 2), dtype=jnp.float32) * (1.0 / np.sqrt(H))
    b_lin = jnp.zeros((2,), dtype=jnp.float32)
    return {"x": x, "edge_index": edge_index, "batch": batch, "W1": W1, "b1": b1, "W_lin": W_lin, "b_lin": b_lin}


def _gcn_conv(x, edge_index, W, b):
    # GCNConv: D^{-1/2} (A + I) D^{-1/2} X W + b, with add_self_loops=True
    n = x.shape[0]
    loop = jnp.arange(n, dtype=edge_index.dtype)
    src = jnp.concatenate([edge_index[0], loop])
    dst = jnp.concatenate([edge_index[1], loop])
    deg = jnp.zeros((n,), dtype=x.dtype).at[dst].add(1.0)
    deg_inv_sqrt = jnp.where(deg > 0, jax.lax.rsqrt(jnp.maximum(deg, 1e-12)), 0.0)
    norm = deg_inv_sqrt[src] * deg_inv_sqrt[dst]
    xw = x @ W
    msg = xw[src] * norm[:, None]
    out = jnp.zeros((n, W.shape[1]), dtype=x.dtype).at[dst].add(msg)
    return out + b


def _global_mean_pool(h, batch, num_graphs):
    sums = jax.ops.segment_sum(h, batch, num_segments=num_graphs)
    counts = jax.ops.segment_sum(jnp.ones((h.shape[0], 1), dtype=h.dtype), batch, num_segments=num_graphs)
    return sums / jnp.maximum(counts, 1.0)


def reference(x, edge_index, batch, W1, b1, W_lin, b_lin):
    # forward of GCN: conv1 -> relu -> global_mean_pool -> dropout (eval: identity) -> lin1
    # NOTE: conv2 is defined in __init__ but never used in forward; we translate forward faithfully.
    h = _gcn_conv(x, edge_index, W1, b1)
    h = jax.nn.relu(h)
    pooled = _global_mean_pool(h, batch, G)
    # Dropout(0.5) in eval mode is identity (deterministic reference)
    x_t = pooled @ W_lin + b_lin
    return (x_t, pooled)

if __name__ == "__main__":
    import jax
    _d = setup_inputs()
    print(jax.jit(kernel)(*tuple(_d.values())))

</pallas_src>

<mosaic_0001>
#map = affine_map<(d0, d1) -> (0, 0, 0)>
#map1 = affine_map<(d0, d1) -> (0, 0)>
module attributes {stable_mosaic.version = 14 : i64} {
  func.func @_deg_body(%arg0: i32, %arg1: i32, %arg2: memref<32x157x128xi32, #tpu.memory_space<hbm>>, %arg3: memref<32x10240xf32, #tpu.memory_space<hbm>>, %arg4: memref<157x128xi32, #tpu.memory_space<vmem>>, %arg5: memref<10240xf32, #tpu.memory_space<vmem>>, %arg6: memref<!tpu.dma_semaphore, #tpu.memory_space<semaphore_mem>>) attributes {dimension_semantics = [#tpu.dimension_semantics<core_parallel>, #tpu.dimension_semantics<subcore_parallel>], iteration_bounds = array<i64: 2, 16>, scalar_prefetch = 0 : i64, scratch_operands = 3 : i64, tpu.core_type = #tpu.core_type<sc_vector_subcore>, window_params = [{transform_indices = #map}, {transform_indices = #map1}]} {
    %mul3A = arith.constant 16 : i32
    %mul3A_0 = arith.muli %arg0, %mul3A : i32
    %add3A = arith.addi %mul3A_0, %arg1 : i32
    %dma_start3A = arith.constant 0 : i32
    %dma_start3A_1 = arith.constant 0 : i32
    %dma_start3A_2 = tpu.memref_slice %arg2[%add3A, %dma_start3A, %dma_start3A_1] : memref<32x157x128xi32, #tpu.memory_space<hbm>> -> memref<1x157x128xi32, #tpu.memory_space<hbm>>
    %dma_start3A_3 = tpu.memref_squeeze %dma_start3A_2 : memref<1x157x128xi32, #tpu.memory_space<hbm>> -> memref<157x128xi32, #tpu.memory_space<hbm>>
    %dma_start3A_4 = arith.constant 0 : i32
    %dma_start3A_5 = arith.constant 0 : i32
    %dma_start3A_6 = tpu.memref_slice %arg2[%add3A, %dma_start3A_4, %dma_start3A_5] : memref<32x157x128xi32, #tpu.memory_space<hbm>> -> memref<1x157x128xi32, #tpu.memory_space<hbm>>
    %dma_start3A_7 = tpu.memref_squeeze %dma_start3A_6 : memref<1x157x128xi32, #tpu.memory_space<hbm>> -> memref<157x128xi32, #tpu.memory_space<hbm>>
    tpu.enqueue_dma source(%dma_start3A_7 : memref<157x128xi32, #tpu.memory_space<hbm>>) target(%arg4 : memref<157x128xi32, #tpu.memory_space<vmem>>) target_semaphore(%arg6 : memref<!tpu.dma_semaphore, #tpu.memory_space<semaphore_mem>>)
    %broadcast_in_dim3A = arith.constant 0.000000e+00 : f32
    %broadcast_in_dim3A_8 = vector.broadcast %broadcast_in_dim3A : f32 to vector<16xf32>
    %scan3A = arith.constant 0 : i32
    %scan3A_9 = arith.constant 0 : i32
    %scan3A_10 = arith.constant 640 : i32
    %scan3A_11 = arith.addi %scan3A_9, %scan3A_10 : i32
    %scan3A_12 = arith.constant 1 : i32
    scf.for %scan3A_29 = %scan3A_9 to %scan3A_11 step %scan3A_12  : i32 {
      %mul3A_30 = arith.constant 16 : i32
      %mul3A_31 = arith.muli %scan3A_29, %mul3A_30 : i32
      %swap3A = arith.index_cast %mul3A_31 : i32 to index
      %swap3A_32 = tpu.vector_load %arg5[%swap3A] {strides = array<i32>} : memref<10240xf32, #tpu.memory_space<vmem>>, vector<16xf32>,
      tpu.vector_store %arg5[%swap3A], %broadcast_in_dim3A_8 {strides = array<i32>} : memref<10240xf32, #tpu.memory_space<vmem>>, vector<16xf32>,
    }
    %scan3A_13 = arith.constant 640 : i32
    %dma_wait3A = arith.constant 0 : i32
    %dma_wait3A_14 = arith.constant 0 : i32
    %dma_wait3A_15 = tpu.memref_slice %arg2[%add3A, %dma_wait3A, %dma_wait3A_14] : memref<32x157x128xi32, #tpu.memory_space<hbm>> -> memref<1x157x128xi32, #tpu.memory_space<hbm>>
    %dma_wait3A_16 = tpu.memref_squeeze %dma_wait3A_15 : memref<1x157x128xi32, #tpu.memory_space<hbm>> -> memref<157x128xi32, #tpu.memory_space<hbm>>
    %dma_wait3A_17 = arith.constant 0 : i32
    %dma_wait3A_18 = arith.constant 0 : i32
    %dma_wait3A_19 = tpu.memref_slice %arg2[%add3A, %dma_wait3A_17, %dma_wait3A_18] : memref<32x157x128xi32, #tpu.memory_space<hbm>> -> memref<1x157x128xi32, #tpu.memory_space<hbm>>
    %dma_wait3A_20 = tpu.memref_squeeze %dma_wait3A_19 : memref<1x157x128xi32, #tpu.memory_space<hbm>> -> memref<157x128xi32, #tpu.memory_space<hbm>>
    tpu.wait_dma2 semaphore(%arg6 : memref<!tpu.dma_semaphore, #tpu.memory_space<semaphore_mem>>) src(%dma_wait3A_20 : memref<157x128xi32, #tpu.memory_space<hbm>>) dst(%arg4 : memref<157x128xi32, #tpu.memory_space<vmem>>)
    %broadcast_in_dim3A_21 = arith.constant 1.000000e+00 : f32
    %broadcast_in_dim3A_22 = vector.broadcast %broadcast_in_dim3A_21 : f32 to vector<16xf32>
    %scan3A_23 = arith.constant 0 : i32
    %scan3A_24 = arith.constant 0 : i32
    %scan3A_25 = arith.constant 157 : i32
    %scan3A_26 = arith.addi %scan3A_24, %scan3A_25 : i32
    %scan3A_27 = arith.constant 1 : i32
    scf.for %scan3A_29 = %scan3A_24 to %scan3A_26 step %scan3A_27  : i32 {
      %get3A = arith.index_cast %scan3A_29 : i32 to index
      %get3A_30 = arith.constant 0 : index
      %get3A_31 = tpu.vector_load %arg4[%get3A, %get3A_30] {strides = array<i32>} : memref<157x128xi32, #tpu.memory_space<vmem>>, vector<16xi32>,
      tpu.vector_store_idx %arg5[%get3A_31], %broadcast_in_dim3A_22 {add = true} : memref<10240xf32, #tpu.memory_space<vmem>>[vector<16xi32>], vector<16xf32>,
      %get3A_32 = arith.index_cast %scan3A_29 : i32 to index
      %get3A_33 = arith.constant 16 : index
      %get3A_34 = tpu.vector_load %arg4[%get3A_32, %get3A_33] {strides = array<i32>} : memref<157x128xi32, #tpu.memory_space<vmem>>, vector<16xi32>,
      tpu.vector_store_idx %arg5[%get3A_34], %broadcast_in_dim3A_22 {add = true} : memref<10240xf32, #tpu.memory_space<vmem>>[vector<16xi32>], vector<16xf32>,
      %get3A_35 = arith.index_cast %scan3A_29 : i32 to index
      %get3A_36 = arith.constant 32 : index
      %get3A_37 = tpu.vector_load %arg4[%get3A_35, %get3A_36] {strides = array<i32>} : memref<157x128xi32, #tpu.memory_space<vmem>>, vector<16xi32>,
      tpu.vector_store_idx %arg5[%get3A_37], %broadcast_in_dim3A_22 {add = true} : memref<10240xf32, #tpu.memory_space<vmem>>[vector<16xi32>], vector<16xf32>,
      %get3A_38 = arith.index_cast %scan3A_29 : i32 to index
      %get3A_39 = arith.constant 48 : index
      %get3A_40 = tpu.vector_load %arg4[%get3A_38, %get3A_39] {strides = array<i32>} : memref<157x128xi32, #tpu.memory_space<vmem>>, vector<16xi32>,
      tpu.vector_store_idx %arg5[%get3A_40], %broadcast_in_dim3A_22 {add = true} : memref<10240xf32, #tpu.memory_space<vmem>>[vector<16xi32>], vector<16xf32>,
      %get3A_41 = arith.index_cast %scan3A_29 : i32 to index
      %get3A_42 = arith.constant 64 : index
      %get3A_43 = tpu.vector_load %arg4[%get3A_41, %get3A_42] {strides = array<i32>} : memref<157x128xi32, #tpu.memory_space<vmem>>, vector<16xi32>,
      tpu.vector_store_idx %arg5[%get3A_43], %broadcast_in_dim3A_22 {add = true} : memref<10240xf32, #tpu.memory_space<vmem>>[vector<16xi32>], vector<16xf32>,
      %get3A_44 = arith.index_cast %scan3A_29 : i32 to index
      %get3A_45 = arith.constant 80 : index
      %get3A_46 = tpu.vector_load %arg4[%get3A_44, %get3A_45] {strides = array<i32>} : memref<157x128xi32, #tpu.memory_space<vmem>>, vector<16xi32>,
      tpu.vector_store_idx %arg5[%get3A_46], %broadcast_in_dim3A_22 {add = true} : memref<10240xf32, #tpu.memory_space<vmem>>[vector<16xi32>], vector<16xf32>,
      %get3A_47 = arith.index_cast %scan3A_29 : i32 to index
      %get3A_48 = arith.constant 96 : index
      %get3A_49 = tpu.vector_load %arg4[%get3A_47, %get3A_48] {strides = array<i32>} : memref<157x128xi32, #tpu.memory_space<vmem>>, vector<16xi32>,
      tpu.vector_store_idx %arg5[%get3A_49], %broadcast_in_dim3A_22 {add = true} : memref<10240xf32, #tpu.memory_space<vmem>>[vector<16xi32>], vector<16xf32>,
      %get3A_50 = arith.index_cast %scan3A_29 : i32 to index
      %get3A_51 = arith.constant 112 : index
      %get3A_52 = tpu.vector_load %arg4[%get3A_50, %get3A_51] {strides = array<i32>} : memref<157x128xi32, #tpu.memory_space<vmem>>, vector<16xi32>,
      tpu.vector_store_idx %arg5[%get3A_52], %broadcast_in_dim3A_22 {add = true} : memref<10240xf32, #tpu.memory_space<vmem>>[vector<16xi32>], vector<16xf32>,
    }
    %scan3A_28 = arith.constant 157 : i32
    "tpu.region"() ({
      %run_scoped3A = tpu.sem_alloc : memref<!tpu.dma_semaphore, #tpu.memory_space<semaphore_mem>>
      %dma_start3A_29 = arith.constant 0 : i32
      %dma_start3A_30 = tpu.memref_slice %arg3[%add3A, %dma_start3A_29] : memref<32x10240xf32, #tpu.memory_space<hbm>> -> memref<1x10240xf32, #tpu.memory_space<hbm>>
      %dma_start3A_31 = tpu.memref_squeeze %dma_start3A_30 : memref<1x10240xf32, #tpu.memory_space<hbm>> -> memref<10240xf32, #tpu.memory_space<hbm>>
      %dma_start3A_32 = arith.constant 0 : i32
      %dma_start3A_33 = tpu.memref_slice %arg3[%add3A, %dma_start3A_32] : memref<32x10240xf32, #tpu.memory_space<hbm>> -> memref<1x10240xf32, #tpu.memory_space<hbm>>
      %dma_start3A_34 = tpu.memref_squeeze %dma_start3A_33 : memref<1x10240xf32, #tpu.memory_space<hbm>> -> memref<10240xf32, #tpu.memory_space<hbm>>
      tpu.enqueue_dma source(%arg5 : memref<10240xf32, #tpu.memory_space<vmem>>) target(%dma_start3A_34 : memref<10240xf32, #tpu.memory_space<hbm>>) target_semaphore(%run_scoped3A : memref<!tpu.dma_semaphore, #tpu.memory_space<semaphore_mem>>)
      %dma_wait3A_35 = arith.constant 0 : i32
      %dma_wait3A_36 = tpu.memref_slice %arg3[%add3A, %dma_wait3A_35] : memref<32x10240xf32, #tpu.memory_space<hbm>> -> memref<1x10240xf32, #tpu.memory_space<hbm>>
      %dma_wait3A_37 = tpu.memref_squeeze %dma_wait3A_36 : memref<1x10240xf32, #tpu.memory_space<hbm>> -> memref<10240xf32, #tpu.memory_space<hbm>>
      %dma_wait3A_38 = arith.constant 0 : i32
      %dma_wait3A_39 = tpu.memref_slice %arg3[%add3A, %dma_wait3A_38] : memref<32x10240xf32, #tpu.memory_space<hbm>> -> memref<1x10240xf32, #tpu.memory_space<hbm>>
      %dma_wait3A_40 = tpu.memref_squeeze %dma_wait3A_39 : memref<1x10240xf32, #tpu.memory_space<hbm>> -> memref<10240xf32, #tpu.memory_space<hbm>>
      tpu.wait_dma2 semaphore(%run_scoped3A : memref<!tpu.dma_semaphore, #tpu.memory_space<semaphore_mem>>) src(%arg5 : memref<10240xf32, #tpu.memory_space<vmem>>) dst(%dma_wait3A_40 : memref<10240xf32, #tpu.memory_space<hbm>>)
      tpu.yield
    }) : () -> ()
    return
  }
}

#map = affine_map<(d0, d1) -> (0, 0, 0)>
#map1 = affine_map<(d0, d1) -> (0, 0)>
module attributes {stable_mosaic.version = 14 : i64} {
  func.func @_raw_body(%arg0: i32, %arg1: i32, %arg2: memref<32x157x128xi32, #tpu.memory_space<hbm>>, %arg3: memref<32x157x128xi32, #tpu.memory_space<hbm>>, %arg4: memref<2x10240x128xf32, #tpu.memory_space<hbm>>, %arg5: memref<10240x128xf32, #tpu.memory_space<hbm>>, %arg6: memref<2x10240x128xf32, #tpu.memory_space<hbm>>, %arg7: memref<2x128xi32, #tpu.memory_space<vmem>>, %arg8: memref<2x128xi32, #tpu.memory_space<vmem>>, %arg9: memref<2x128x128xf32, #tpu.memory_space<vmem>>, %arg10: memref<10240x128xf32, #tpu.memory_space<vmem_shared>>, %arg11: memref<2x!tpu.dma_semaphore, #tpu.memory_space<semaphore_mem>>) attributes {dimension_semantics = [#tpu.dimension_semantics<core_parallel>, #tpu.dimension_semantics<subcore_parallel>], iteration_bounds = array<i64: 2, 16>, scalar_prefetch = 0 : i64, scratch_operands = 5 : i64, tpu.core_type = #tpu.core_type<sc_vector_subcore>, window_params = [{transform_indices = #map}, {transform_indices = #map}, {transform_indices = #map}, {transform_indices = #map1}, {transform_indices = #map}]} {
    %mul3A = arith.constant 16 : i32
    %mul3A_0 = arith.muli %arg0, %mul3A : i32
    %add3A = arith.addi %mul3A_0, %arg1 : i32
    %mul3A_1 = arith.constant 640 : i32
    %mul3A_2 = arith.muli %arg1, %mul3A_1 : i32
    "tpu.region"() ({
      %run_scoped3A_30 = tpu.sem_alloc : memref<!tpu.dma_semaphore, #tpu.memory_space<semaphore_mem>>
      %dma_start3A_31 = arith.constant 0 : i32
      %dma_start3A_32 = tpu.memref_slice %arg10[%mul3A_2, %dma_start3A_31] : memref<10240x128xf32, #tpu.memory_space<vmem_shared>> -> memref<640x128xf32, #tpu.memory_space<vmem_shared>>
      %dma_start3A_33 = arith.constant 0 : i32
      %dma_start3A_34 = tpu.memref_slice %arg5[%mul3A_2, %dma_start3A_33] : memref<10240x128xf32, #tpu.memory_space<hbm>> -> memref<640x128xf32, #tpu.memory_space<hbm>>
      tpu.enqueue_dma source(%dma_start3A_34 : memref<640x128xf32, #tpu.memory_space<hbm>>) target(%dma_start3A_32 : memref<640x128xf32, #tpu.memory_space<vmem_shared>>) target_semaphore(%run_scoped3A_30 : memref<!tpu.dma_semaphore, #tpu.memory_space<semaphore_mem>>)
      %dma_wait3A = arith.constant 0 : i32
      %dma_wait3A_35 = tpu.memref_slice %arg10[%mul3A_2, %dma_wait3A] : memref<10240x128xf32, #tpu.memory_space<vmem_shared>> -> memref<640x128xf32, #tpu.memory_space<vmem_shared>>
      %dma_wait3A_36 = arith.constant 0 : i32
      %dma_wait3A_37 = tpu.memref_slice %arg5[%mul3A_2, %dma_wait3A_36] : memref<10240x128xf32, #tpu.memory_space<hbm>> -> memref<640x128xf32, #tpu.memory_space<hbm>>
      tpu.wait_dma2 semaphore(%run_scoped3A_30 : memref<!tpu.dma_semaphore, #tpu.memory_space<semaphore_mem>>) src(%dma_wait3A_37 : memref<640x128xf32, #tpu.memory_space<hbm>>) dst(%dma_wait3A_35 : memref<640x128xf32, #tpu.memory_space<vmem_shared>>)
      tpu.yield
    }) : () -> ()
    %barrier3A = arith.constant 0 : index
    tpu.barrier barrier_id(%barrier3A)
    %run_scoped3A = arith.constant 0 : i32
    %run_scoped3A_3 = arith.constant 0 : i32
    "tpu.region"() ({
      %run_scoped3A_30 = tpu.sem_alloc : memref<!tpu.dma_semaphore, #tpu.memory_space<semaphore_mem>>
      %dma_start3A_31 = arith.constant 0 : i32
      %dma_start3A_32 = tpu.memref_slice %arg7[%run_scoped3A_3, %dma_start3A_31] : memref<2x128xi32, #tpu.memory_space<vmem>> -> memref<1x128xi32, #tpu.memory_space<vmem>>
      %dma_start3A_33 = tpu.memref_squeeze %dma_start3A_32 : memref<1x128xi32, #tpu.memory_space<vmem>> -> memref<128xi32, #tpu.memory_space<vmem>>
      %dma_start3A_34 = arith.constant 0 : i32
      %dma_start3A_35 = tpu.memref_slice %arg2[%add3A, %run_scoped3A, %dma_start3A_34] : memref<32x157x128xi32, #tpu.memory_space<hbm>> -> memref<1x1x128xi32, #tpu.memory_space<hbm>>
      %dma_start3A_36 = tpu.memref_squeeze %dma_start3A_35 : memref<1x1x128xi32, #tpu.memory_space<hbm>> -> memref<128xi32, #tpu.memory_space<hbm>>
      %dma_start3A_37 = arith.constant 0 : i32
      %dma_start3A_38 = tpu.memref_slice %arg7[%run_scoped3A_3, %dma_start3A_37] : memref<2x128xi32, #tpu.memory_space<vmem>> -> memref<1x128xi32, #tpu.memory_space<vmem>>
      %dma_start3A_39 = tpu.memref_squeeze %dma_start3A_38 : memref<1x128xi32, #tpu.memory_space<vmem>> -> memref<128xi32, #tpu.memory_space<vmem>>
      %dma_start3A_40 = arith.constant 0 : i32
      %dma_start3A_41 = tpu.memref_slice %arg2[%add3A, %run_scoped3A, %dma_start3A_40] : memref<32x157x128xi32, #tpu.memory_space<hbm>> -> memref<1x1x128xi32, #tpu.memory_space<hbm>>
      %dma_start3A_42 = tpu.memref_squeeze %dma_start3A_41 : memref<1x1x128xi32, #tpu.memory_space<hbm>> -> memref<128xi32, #tpu.memory_space<hbm>>
      tpu.enqueue_dma source(%dma_start3A_42 : memref<128xi32, #tpu.memory_space<hbm>>) target(%dma_start3A_39 : memref<128xi32, #tpu.memory_space<vmem>>) target_semaphore(%run_scoped3A_30 : memref<!tpu.dma_semaphore, #tpu.memory_space<semaphore_mem>>)
      %dma_wait3A = arith.constant 0 : i32
      %dma_wait3A_43 = tpu.memref_slice %arg7[%run_scoped3A_3, %dma_wait3A] : memref<2x128xi32, #tpu.memory_space<vmem>> -> memref<1x128xi32, #tpu.memory_space<vmem>>
      %dma_wait3A_44 = tpu.memref_squeeze %dma_wait3A_43 : memref<1x128xi32, #tpu.memory_space<vmem>> -> memref<128xi32, #tpu.memory_space<vmem>>
      %dma_wait3A_45 = arith.constant 0 : i32
      %dma_wait3A_46 = tpu.memref_slice %arg2[%add3A, %run_scoped3A, %dma_wait3A_45] : memref<32x157x128xi32, #tpu.memory_space<hbm>> -> memref<1x1x128xi32, #tpu.memory_space<hbm>>
      %dma_wait3A_47 = tpu.memref_squeeze %dma_wait3A_46 : memref<1x1x128xi32, #tpu.memory_space<hbm>> -> memref<128xi32, #tpu.memory_space<hbm>>
      %dma_wait3A_48 = arith.constant 0 : i32
      %dma_wait3A_49 = tpu.memref_slice %arg7[%run_scoped3A_3, %dma_wait3A_48] : memref<2x128xi32, #tpu.memory_space<vmem>> -> memref<1x128xi32, #tpu.memory_space<vmem>>
      %dma_wait3A_50 = tpu.memref_squeeze %dma_wait3A_49 : memref<1x128xi32, #tpu.memory_space<vmem>> -> memref<128xi32, #tpu.memory_space<vmem>>
      %dma_wait3A_51 = arith.constant 0 : i32
      %dma_wait3A_52 = tpu.memref_slice %arg2[%add3A, %run_scoped3A, %dma_wait3A_51] : memref<32x157x128xi32, #tpu.memory_space<hbm>> -> memref<1x1x128xi32, #tpu.memory_space<hbm>>
      %dma_wait3A_53 = tpu.memref_squeeze %dma_wait3A_52 : memref<1x1x128xi32, #tpu.memory_space<hbm>> -> memref<128xi32, #tpu.memory_space<hbm>>
      tpu.wait_dma2 semaphore(%run_scoped3A_30 : memref<!tpu.dma_semaphore, #tpu.memory_space<semaphore_mem>>) src(%dma_wait3A_53 : memref<128xi32, #tpu.memory_space<hbm>>) dst(%dma_wait3A_50 : memref<128xi32, #tpu.memory_space<vmem>>)
      tpu.yield
    }) : () -> ()
    %run_scoped3A_4 = arith.constant 0 : i32
    %run_scoped3A_5 = arith.constant 0 : i32
    "tpu.region"() ({
      %run_scoped3A_30 = tpu.sem_alloc : memref<!tpu.dma_semaphore, #tpu.memory_space<semaphore_mem>>
      %dma_start3A_31 = arith.constant 0 : i32
      %dma_start3A_32 = tpu.memref_slice %arg8[%run_scoped3A_5, %dma_start3A_31] : memref<2x128xi32, #tpu.memory_space<vmem>> -> memref<1x128xi32, #tpu.memory_space<vmem>>
      %dma_start3A_33 = tpu.memref_squeeze %dma_start3A_32 : memref<1x128xi32, #tpu.memory_space<vmem>> -> memref<128xi32, #tpu.memory_space<vmem>>
      %dma_start3A_34 = arith.constant 0 : i32
      %dma_start3A_35 = tpu.memref_slice %arg3[%add3A, %run_scoped3A_4, %dma_start3A_34] : memref<32x157x128xi32, #tpu.memory_space<hbm>> -> memref<1x1x128xi32, #tpu.memory_space<hbm>>
      %dma_start3A_36 = tpu.memref_squeeze %dma_start3A_35 : memref<1x1x128xi32, #tpu.memory_space<hbm>> -> memref<128xi32, #tpu.memory_space<hbm>>
      %dma_start3A_37 = arith.constant 0 : i32
      %dma_start3A_38 = tpu.memref_slice %arg8[%run_scoped3A_5, %dma_start3A_37] : memref<2x128xi32, #tpu.memory_space<vmem>> -> memref<1x128xi32, #tpu.memory_space<vmem>>
      %dma_start3A_39 = tpu.memref_squeeze %dma_start3A_38 : memref<1x128xi32, #tpu.memory_space<vmem>> -> memref<128xi32, #tpu.memory_space<vmem>>
      %dma_start3A_40 = arith.constant 0 : i32
      %dma_start3A_41 = tpu.memref_slice %arg3[%add3A, %run_scoped3A_4, %dma_start3A_40] : memref<32x157x128xi32, #tpu.memory_space<hbm>> -> memref<1x1x128xi32, #tpu.memory_space<hbm>>
      %dma_start3A_42 = tpu.memref_squeeze %dma_start3A_41 : memref<1x1x128xi32, #tpu.memory_space<hbm>> -> memref<128xi32, #tpu.memory_space<hbm>>
      tpu.enqueue_dma source(%dma_start3A_42 : memref<128xi32, #tpu.memory_space<hbm>>) target(%dma_start3A_39 : memref<128xi32, #tpu.memory_space<vmem>>) target_semaphore(%run_scoped3A_30 : memref<!tpu.dma_semaphore, #tpu.memory_space<semaphore_mem>>)
      %dma_wait3A = arith.constant 0 : i32
      %dma_wait3A_43 = tpu.memref_slice %arg8[%run_scoped3A_5, %dma_wait3A] : memref<2x128xi32, #tpu.memory_space<vmem>> -> memref<1x128xi32, #tpu.memory_space<vmem>>
      %dma_wait3A_44 = tpu.memref_squeeze %dma_wait3A_43 : memref<1x128xi32, #tpu.memory_space<vmem>> -> memref<128xi32, #tpu.memory_space<vmem>>
      %dma_wait3A_45 = arith.constant 0 : i32
      %dma_wait3A_46 = tpu.memref_slice %arg3[%add3A, %run_scoped3A_4, %dma_wait3A_45] : memref<32x157x128xi32, #tpu.memory_space<hbm>> -> memref<1x1x128xi32, #tpu.memory_space<hbm>>
      %dma_wait3A_47 = tpu.memref_squeeze %dma_wait3A_46 : memref<1x1x128xi32, #tpu.memory_space<hbm>> -> memref<128xi32, #tpu.memory_space<hbm>>
      %dma_wait3A_48 = arith.constant 0 : i32
      %dma_wait3A_49 = tpu.memref_slice %arg8[%run_scoped3A_5, %dma_wait3A_48] : memref<2x128xi32, #tpu.memory_space<vmem>> -> memref<1x128xi32, #tpu.memory_space<vmem>>
      %dma_wait3A_50 = tpu.memref_squeeze %dma_wait3A_49 : memref<1x128xi32, #tpu.memory_space<vmem>> -> memref<128xi32, #tpu.memory_space<vmem>>
      %dma_wait3A_51 = arith.constant 0 : i32
      %dma_wait3A_52 = tpu.memref_slice %arg3[%add3A, %run_scoped3A_4, %dma_wait3A_51] : memref<32x157x128xi32, #tpu.memory_space<hbm>> -> memref<1x1x128xi32, #tpu.memory_space<hbm>>
      %dma_wait3A_53 = tpu.memref_squeeze %dma_wait3A_52 : memref<1x1x128xi32, #tpu.memory_space<hbm>> -> memref<128xi32, #tpu.memory_space<hbm>>
      tpu.wait_dma2 semaphore(%run_scoped3A_30 : memref<!tpu.dma_semaphore, #tpu.memory_space<semaphore_mem>>) src(%dma_wait3A_53 : memref<128xi32, #tpu.memory_space<hbm>>) dst(%dma_wait3A_50 : memref<128xi32, #tpu.memory_space<vmem>>)
      tpu.yield
    }) : () -> ()
    %dma_start3A = arith.constant 0 : i32
    %dma_start3A_6 = arith.constant 0 : i32
    %dma_start3A_7 = arith.constant 0 : i32
    %dma_start3A_8 = arith.constant 0 : i32
    %dma_start3A_9 = arith.constant 0 : i32
    %dma_start3A_10 = tpu.memref_slice %arg9[%dma_start3A_6, %dma_start3A_8, %dma_start3A_9] : memref<2x128x128xf32, #tpu.memory_space<vmem>> -> memref<1x128x128xf32, #tpu.memory_space<vmem>>
    %dma_start3A_11 = tpu.memref_squeeze %dma_start3A_10 : memref<1x128x128xf32, #tpu.memory_space<vmem>> -> memref<128x128xf32, #tpu.memory_space<vmem>>
    %dma_start3A_12 = arith.constant 0 : i32
    %dma_start3A_13 = tpu.memref_slice %arg7[%dma_start3A, %dma_start3A_12] : memref<2x128xi32, #tpu.memory_space<vmem>> -> memref<1x128xi32, #tpu.memory_space<vmem>>
    %dma_start3A_14 = tpu.memref_squeeze %dma_start3A_13 : memref<1x128xi32, #tpu.memory_space<vmem>> -> memref<128xi32, #tpu.memory_space<vmem>>
    %dma_start3A_15 = arith.constant 0 : i32
    %dma_start3A_16 = arith.constant 0 : i32
    %dma_start3A_17 = tpu.memref_slice %arg4[%arg0, %dma_start3A_15, %dma_start3A_16] : memref<2x10240x128xf32, #tpu.memory_space<hbm>> -> memref<1x10240x128xf32, #tpu.memory_space<hbm>>
    %dma_start3A_18 = tpu.memref_squeeze %dma_start3A_17 : memref<1x10240x128xf32, #tpu.memory_space<hbm>> -> memref<10240x128xf32, #tpu.memory_space<hbm>>
    %dma_start3A_19 = arith.constant 0 : i32
    %dma_start3A_20 = arith.constant 0 : i32
    %dma_start3A_21 = tpu.memref_slice %dma_start3A_18[%dma_start3A_19, %dma_start3A_20] : memref<10240x128xf32, #tpu.memory_space<hbm>> -> memref<10240x128xf32, #tpu.memory_space<hbm>>
    %dma_start3A_22 = tpu.memref_slice %arg11[%dma_start3A_7] : memref<2x!tpu.dma_semaphore, #tpu.memory_space<semaphore_mem>> -> memref<1x!tpu.dma_semaphore, #tpu.memory_space<semaphore_mem>>
    %dma_start3A_23 = tpu.memref_squeeze %dma_start3A_22 : memref<1x!tpu.dma_semaphore, #tpu.memory_space<semaphore_mem>> -> memref<!tpu.dma_semaphore, #tpu.memory_space<semaphore_mem>>
    tpu.enqueue_indirect_dma source(%dma_start3A_21 : memref<10240x128xf32, #tpu.memory_space<hbm>>) target(%dma_start3A_11 : memref<128x128xf32, #tpu.memory_space<vmem>>) offsets(%dma_start3A_14 : memref<128xi32, #tpu.memory_space<vmem>>) semaphore(%dma_start3A_23 : memref<!tpu.dma_semaphore, #tpu.memory_space<semaphore_mem>>)
    %scan3A = arith.constant 0 : i32
    %scan3A_24 = arith.constant 0 : i32
    %scan3A_25 = arith.constant 157 : i32
    %scan3A_26 = arith.addi %scan3A_24, %scan3A_25 : i32
    %scan3A_27 = arith.constant 1 : i32
    scf.for %scan3A_30 = %scan3A_24 to %scan3A_26 step %scan3A_27  : i32 {
      %jit3A = arith.constant 2 : i32
      %eq3A = arith.constant 0 : i32
      %eq3A_31 = arith.cmpi eq, %jit3A, %eq3A : i32
      %jit3A_32 = arith.constant 1 : i32
      %select_n3A = arith.select %eq3A_31, %jit3A_32, %jit3A : i32
      %rem3A = arith.remsi %scan3A_30, %select_n3A : i32
      %ne3A = arith.constant 0 : i32
      %ne3A_33 = arith.cmpi ne, %rem3A, %ne3A : i32
      %lt3A = arith.constant 0 : i32
      %lt3A_34 = arith.cmpi slt, %rem3A, %lt3A : i32
      %lt3A_35 = arith.constant 0 : i32
      %lt3A_36 = arith.cmpi slt, %select_n3A, %lt3A_35 : i32
      %ne3A_37 = arith.xori %lt3A_34, %lt3A_36 : i1
      %and3A = arith.andi %ne3A_37, %ne3A_33 : i1
      %add3A_38 = arith.addi %rem3A, %select_n3A : i32
      %select_n3A_39 = arith.select %and3A, %add3A_38, %rem3A : i32
      %add3A_40 = arith.constant 1 : i32
      %add3A_41 = arith.addi %scan3A_30, %add3A_40 : i32
      %lt3A_42 = arith.constant 157 : i32
      %lt3A_43 = arith.cmpi slt, %add3A_41, %lt3A_42 : i32
      %convert_element_type3A = arith.extui %lt3A_43 : i1 to i32
      %cond3A = arith.constant 0 : i32
      %cond3A_44 = arith.cmpi ne, %convert_element_type3A, %cond3A : i32
      scf.if %cond3A_44 {
        %jit3A_60 = arith.constant 2 : i32
        %eq3A_61 = arith.constant 0 : i32
        %eq3A_62 = arith.cmpi eq, %jit3A_60, %eq3A_61 : i32
        %jit3A_63 = arith.constant 1 : i32
        %select_n3A_64 = arith.select %eq3A_62, %jit3A_63, %jit3A_60 : i32
        %rem3A_65 = arith.remsi %add3A_41, %select_n3A_64 : i32
        %ne3A_66 = arith.constant 0 : i32
        %ne3A_67 = arith.cmpi ne, %rem3A_65, %ne3A_66 : i32
        %lt3A_68 = arith.constant 0 : i32
        %lt3A_69 = arith.cmpi slt, %rem3A_65, %lt3A_68 : i32
        %lt3A_70 = arith.constant 0 : i32
        %lt3A_71 = arith.cmpi slt, %select_n3A_64, %lt3A_70 : i32
        %ne3A_72 = arith.xori %lt3A_69, %lt3A_71 : i1
        %and3A_73 = arith.andi %ne3A_72, %ne3A_67 : i1
        %add3A_74 = arith.addi %rem3A_65, %select_n3A_64 : i32
        %select_n3A_75 = arith.select %and3A_73, %add3A_74, %rem3A_65 : i32
        "tpu.region"() ({
          %run_scoped3A_92 = tpu.sem_alloc : memref<!tpu.dma_semaphore, #tpu.memory_space<semaphore_mem>>
          %dma_start3A_93 = arith.constant 0 : i32
          %dma_start3A_94 = tpu.memref_slice %arg7[%select_n3A_75, %dma_start3A_93] : memref<2x128xi32, #tpu.memory_space<vmem>> -> memref<1x128xi32, #tpu.memory_space<vmem>>
          %dma_start3A_95 = tpu.memref_squeeze %dma_start3A_94 : memref<1x128xi32, #tpu.memory_space<vmem>> -> memref<128xi32, #tpu.memory_space<vmem>>
          %dma_start3A_96 = arith.constant 0 : i32
          %dma_start3A_97 = tpu.memref_slice %arg2[%add3A, %add3A_41, %dma_start3A_96] : memref<32x157x128xi32, #tpu.memory_space<hbm>> -> memref<1x1x128xi32, #tpu.memory_space<hbm>>
          %dma_start3A_98 = tpu.memref_squeeze %dma_start3A_97 : memref<1x1x128xi32, #tpu.memory_space<hbm>> -> memref<128xi32, #tpu.memory_space<hbm>>
          %dma_start3A_99 = arith.constant 0 : i32
          %dma_start3A_100 = tpu.memref_slice %arg7[%select_n3A_75, %dma_start3A_99] : memref<2x128xi32, #tpu.memory_space<vmem>> -> memref<1x128xi32, #tpu.memory_space<vmem>>
          %dma_start3A_101 = tpu.memref_squeeze %dma_start3A_100 : memref<1x128xi32, #tpu.memory_space<vmem>> -> memref<128xi32, #tpu.memory_space<vmem>>
          %dma_start3A_102 = arith.constant 0 : i32
          %dma_start3A_103 = tpu.memref_slice %arg2[%add3A, %add3A_41, %dma_start3A_102] : memref<32x157x128xi32, #tpu.memory_space<hbm>> -> memref<1x1x128xi32, #tpu.memory_space<hbm>>
          %dma_start3A_104 = tpu.memref_squeeze %dma_start3A_103 : memref<1x1x128xi32, #tpu.memory_space<hbm>> -> memref<128xi32, #tpu.memory_space<hbm>>
          tpu.enqueue_dma source(%dma_start3A_104 : memref<128xi32, #tpu.memory_space<hbm>>) target(%dma_start3A_101 : memref<128xi32, #tpu.memory_space<vmem>>) target_semaphore(%run_scoped3A_92 : memref<!tpu.dma_semaphore, #tpu.memory_space<semaphore_mem>>)
          %dma_wait3A_105 = arith.constant 0 : i32
          %dma_wait3A_106 = tpu.memref_slice %arg7[%select_n3A_75, %dma_wait3A_105] : memref<2x128xi32, #tpu.memory_space<vmem>> -> memref<1x128xi32, #tpu.memory_space<vmem>>
          %dma_wait3A_107 = tpu.memref_squeeze %dma_wait3A_106 : memref<1x128xi32, #tpu.memory_space<vmem>> -> memref<128xi32, #tpu.memory_space<vmem>>
          %dma_wait3A_108 = arith.constant 0 : i32
          %dma_wait3A_109 = tpu.memref_slice %arg2[%add3A, %add3A_41, %dma_wait3A_108] : memref<32x157x128xi32, #tpu.memory_space<hbm>> -> memref<1x1x128xi32, #tpu.memory_space<hbm>>
          %dma_wait3A_110 = tpu.memref_squeeze %dma_wait3A_109 : memref<1x1x128xi32, #tpu.memory_space<hbm>> -> memref<128xi32, #tpu.memory_space<hbm>>
          %dma_wait3A_111 = arith.constant 0 : i32
          %dma_wait3A_112 = tpu.memref_slice %arg7[%select_n3A_75, %dma_wait3A_111] : memref<2x128xi32, #tpu.memory_space<vmem>> -> memref<1x128xi32, #tpu.memory_space<vmem>>
          %dma_wait3A_113 = tpu.memref_squeeze %dma_wait3A_112 : memref<1x128xi32, #tpu.memory_space<vmem>> -> memref<128xi32, #tpu.memory_space<vmem>>
          %dma_wait3A_114 = arith.constant 0 : i32
          %dma_wait3A_115 = tpu.memref_slice %arg2[%add3A, %add3A_41, %dma_wait3A_114] : memref<32x157x128xi32, #tpu.memory_space<hbm>> -> memref<1x1x128xi32, #tpu.memory_space<hbm>>
          %dma_wait3A_116 = tpu.memref_squeeze %dma_wait3A_115 : memref<1x1x128xi32, #tpu.memory_space<hbm>> -> memref<128xi32, #tpu.memory_space<hbm>>
          tpu.wait_dma2 semaphore(%run_scoped3A_92 : memref<!tpu.dma_semaphore, #tpu.memory_space<semaphore_mem>>) src(%dma_wait3A_116 : memref<128xi32, #tpu.memory_space<hbm>>) dst(%dma_wait3A_113 : memref<128xi32, #tpu.memory_space<vmem>>)
          tpu.yield
        }) : () -> ()
        "tpu.region"() ({
          %run_scoped3A_92 = tpu.sem_alloc : memref<!tpu.dma_semaphore, #tpu.memory_space<semaphore_mem>>
          %dma_start3A_93 = arith.constant 0 : i32
          %dma_start3A_94 = tpu.memref_slice %arg8[%select_n3A_75, %dma_start3A_93] : memref<2x128xi32, #tpu.memory_space<vmem>> -> memref<1x128xi32, #tpu.memory_space<vmem>>
          %dma_start3A_95 = tpu.memref_squeeze %dma_start3A_94 : memref<1x128xi32, #tpu.memory_space<vmem>> -> memref<128xi32, #tpu.memory_space<vmem>>
          %dma_start3A_96 = arith.constant 0 : i32
          %dma_start3A_97 = tpu.memref_slice %arg3[%add3A, %add3A_41, %dma_start3A_96] : memref<32x157x128xi32, #tpu.memory_space<hbm>> -> memref<1x1x128xi32, #tpu.memory_space<hbm>>
          %dma_start3A_98 = tpu.memref_squeeze %dma_start3A_97 : memref<1x1x128xi32, #tpu.memory_space<hbm>> -> memref<128xi32, #tpu.memory_space<hbm>>
          %dma_start3A_99 = arith.constant 0 : i32
          %dma_start3A_100 = tpu.memref_slice %arg8[%select_n3A_75, %dma_start3A_99] : memref<2x128xi32, #tpu.memory_space<vmem>> -> memref<1x128xi32, #tpu.memory_space<vmem>>
          %dma_start3A_101 = tpu.memref_squeeze %dma_start3A_100 : memref<1x128xi32, #tpu.memory_space<vmem>> -> memref<128xi32, #tpu.memory_space<vmem>>
          %dma_start3A_102 = arith.constant 0 : i32
          %dma_start3A_103 = tpu.memref_slice %arg3[%add3A, %add3A_41, %dma_start3A_102] : memref<32x157x128xi32, #tpu.memory_space<hbm>> -> memref<1x1x128xi32, #tpu.memory_space<hbm>>
          %dma_start3A_104 = tpu.memref_squeeze %dma_start3A_103 : memref<1x1x128xi32, #tpu.memory_space<hbm>> -> memref<128xi32, #tpu.memory_space<hbm>>
          tpu.enqueue_dma source(%dma_start3A_104 : memref<128xi32, #tpu.memory_space<hbm>>) target(%dma_start3A_101 : memref<128xi32, #tpu.memory_space<vmem>>) target_semaphore(%run_scoped3A_92 : memref<!tpu.dma_semaphore, #tpu.memory_space<semaphore_mem>>)
          %dma_wait3A_105 = arith.constant 0 : i32
          %dma_wait3A_106 = tpu.memref_slice %arg8[%select_n3A_75, %dma_wait3A_105] : memref<2x128xi32, #tpu.memory_space<vmem>> -> memref<1x128xi32, #tpu.memory_space<vmem>>
          %dma_wait3A_107 = tpu.memref_squeeze %dma_wait3A_106 : memref<1x128xi32, #tpu.memory_space<vmem>> -> memref<128xi32, #tpu.memory_space<vmem>>
          %dma_wait3A_108 = arith.constant 0 : i32
          %dma_wait3A_109 = tpu.memref_slice %arg3[%add3A, %add3A_41, %dma_wait3A_108] : memref<32x157x128xi32, #tpu.memory_space<hbm>> -> memref<1x1x128xi32, #tpu.memory_space<hbm>>
          %dma_wait3A_110 = tpu.memref_squeeze %dma_wait3A_109 : memref<1x1x128xi32, #tpu.memory_space<hbm>> -> memref<128xi32, #tpu.memory_space<hbm>>
          %dma_wait3A_111 = arith.constant 0 : i32
          %dma_wait3A_112 = tpu.memref_slice %arg8[%select_n3A_75, %dma_wait3A_111] : memref<2x128xi32, #tpu.memory_space<vmem>> -> memref<1x128xi32, #tpu.memory_space<vmem>>
          %dma_wait3A_113 = tpu.memref_squeeze %dma_wait3A_112 : memref<1x128xi32, #tpu.memory_space<vmem>> -> memref<128xi32, #tpu.memory_space<vmem>>
          %dma_wait3A_114 = arith.constant 0 : i32
          %dma_wait3A_115 = tpu.memref_slice %arg3[%add3A, %add3A_41, %dma_wait3A_114] : memref<32x157x128xi32, #tpu.memory_space<hbm>> -> memref<1x1x128xi32, #tpu.memory_space<hbm>>
          %dma_wait3A_116 = tpu.memref_squeeze %dma_wait3A_115 : memref<1x1x128xi32, #tpu.memory_space<hbm>> -> memref<128xi32, #tpu.memory_space<hbm>>
          tpu.wait_dma2 semaphore(%run_scoped3A_92 : memref<!tpu.dma_semaphore, #tpu.memory_space<semaphore_mem>>) src(%dma_wait3A_116 : memref<128xi32, #tpu.memory_space<hbm>>) dst(%dma_wait3A_113 : memref<128xi32, #tpu.memory_space<vmem>>)
          tpu.yield
        }) : () -> ()
        %dma_start3A_76 = arith.constant 0 : i32
        %dma_start3A_77 = arith.constant 0 : i32
        %dma_start3A_78 = tpu.memref_slice %arg9[%select_n3A_75, %dma_start3A_76, %dma_start3A_77] : memref<2x128x128xf32, #tpu.memory_space<vmem>> -> memref<1x128x128xf32, #tpu.memory_space<vmem>>
        %dma_start3A_79 = tpu.memref_squeeze %dma_start3A_78 : memref<1x128x128xf32, #tpu.memory_space<vmem>> -> memref<128x128xf32, #tpu.memory_space<vmem>>
        %dma_start3A_80 = arith.constant 0 : i32
        %dma_start3A_81 = tpu.memref_slice %arg7[%select_n3A_75, %dma_start3A_80] : memref<2x128xi32, #tpu.memory_space<vmem>> -> memref<1x128xi32, #tpu.memory_space<vmem>>
        %dma_start3A_82 = tpu.memref_squeeze %dma_start3A_81 : memref<1x128xi32, #tpu.memory_space<vmem>> -> memref<128xi32, #tpu.memory_space<vmem>>
        %dma_start3A_83 = arith.constant 0 : i32
        %dma_start3A_84 = arith.constant 0 : i32
        %dma_start3A_85 = tpu.memref_slice %arg4[%arg0, %dma_start3A_83, %dma_start3A_84] : memref<2x10240x128xf32, #tpu.memory_space<hbm>> -> memref<1x10240x128xf32, #tpu.memory_space<hbm>>
        %dma_start3A_86 = tpu.memref_squeeze %dma_start3A_85 : memref<1x10240x128xf32, #tpu.memory_space<hbm>> -> memref<10240x128xf32, #tpu.memory_space<hbm>>
        %dma_start3A_87 = arith.constant 0 : i32
        %dma_start3A_88 = arith.constant 0 : i32
        %dma_start3A_89 = tpu.memref_slice %dma_start3A_86[%dma_start3A_87, %dma_start3A_88] : memref<10240x128xf32, #tpu.memory_space<hbm>> -> memref<10240x128xf32, #tpu.memory_space<hbm>>
        %dma_start3A_90 = tpu.memref_slice %arg11[%select_n3A_75] : memref<2x!tpu.dma_semaphore, #tpu.memory_space<semaphore_mem>> -> memref<1x!tpu.dma_semaphore, #tpu.memory_space<semaphore_mem>>
        %dma_start3A_91 = tpu.memref_squeeze %dma_start3A_90 : memref<1x!tpu.dma_semaphore, #tpu.memory_space<semaphore_mem>> -> memref<!tpu.dma_semaphore, #tpu.memory_space<semaphore_mem>>
        tpu.enqueue_indirect_dma source(%dma_start3A_89 : memref<10240x128xf32, #tpu.memory_space<hbm>>) target(%dma_start3A_79 : memref<128x128xf32, #tpu.memory_space<vmem>>) offsets(%dma_start3A_82 : memref<128xi32, #tpu.memory_space<vmem>>) semaphore(%dma_start3A_91 : memref<!tpu.dma_semaphore, #tpu.memory_space<semaphore_mem>>)
      } else {
      }
      %dma_wait3A = arith.constant 0 : i32
      %dma_wait3A_45 = arith.constant 0 : i32
      %dma_wait3A_46 = tpu.memref_slice %arg9[%select_n3A_39, %dma_wait3A, %dma_wait3A_45] : memref<2x128x128xf32, #tpu.memory_space<vmem>> -> memref<1x128x128xf32, #tpu.memory_space<vmem>>
      %dma_wait3A_47 = tpu.memref_squeeze %dma_wait3A_46 : memref<1x128x128xf32, #tpu.memory_space<vmem>> -> memref<128x128xf32, #tpu.memory_space<vmem>>
      %dma_wait3A_48 = arith.constant 0 : i32
      %dma_wait3A_49 = tpu.memref_slice %arg7[%select_n3A_39, %dma_wait3A_48] : memref<2x128xi32, #tpu.memory_space<vmem>> -> memref<1x128xi32, #tpu.memory_space<vmem>>
      %dma_wait3A_50 = tpu.memref_squeeze %dma_wait3A_49 : memref<1x128xi32, #tpu.memory_space<vmem>> -> memref<128xi32, #tpu.memory_space<vmem>>
      %dma_wait3A_51 = arith.constant 0 : i32
      %dma_wait3A_52 = arith.constant 0 : i32
      %dma_wait3A_53 = tpu.memref_slice %arg4[%arg0, %dma_wait3A_51, %dma_wait3A_52] : memref<2x10240x128xf32, #tpu.memory_space<hbm>> -> memref<1x10240x128xf32, #tpu.memory_space<hbm>>
      %dma_wait3A_54 = tpu.memref_squeeze %dma_wait3A_53 : memref<1x10240x128xf32, #tpu.memory_space<hbm>> -> memref<10240x128xf32, #tpu.memory_space<hbm>>
      %dma_wait3A_55 = arith.constant 0 : i32
      %dma_wait3A_56 = arith.constant 0 : i32
      %dma_wait3A_57 = tpu.memref_slice %dma_wait3A_54[%dma_wait3A_55, %dma_wait3A_56] : memref<10240x128xf32, #tpu.memory_space<hbm>> -> memref<10240x128xf32, #tpu.memory_space<hbm>>
      %dma_wait3A_58 = tpu.memref_slice %arg11[%select_n3A_39] : memref<2x!tpu.dma_semaphore, #tpu.memory_space<semaphore_mem>> -> memref<1x!tpu.dma_semaphore, #tpu.memory_space<semaphore_mem>>
      %dma_wait3A_59 = tpu.memref_squeeze %dma_wait3A_58 : memref<1x!tpu.dma_semaphore, #tpu.memory_space<semaphore_mem>> -> memref<!tpu.dma_semaphore, #tpu.memory_space<semaphore_mem>>
      tpu.wait_indirect_dma semaphore(%dma_wait3A_59 : memref<!tpu.dma_semaphore, #tpu.memory_space<semaphore_mem>>) src(%dma_wait3A_57 : memref<10240x128xf32, #tpu.memory_space<hbm>>) dst(%dma_wait3A_47 : memref<128x128xf32, #tpu.memory_space<vmem>>)
      "tpu.region"() ({
        %run_scoped3A_60 = tpu.sem_alloc : memref<!tpu.dma_semaphore, #tpu.memory_space<semaphore_mem>>
        %dma_start3A_61 = arith.constant 0 : i32
        %dma_start3A_62 = arith.constant 0 : i32
        %dma_start3A_63 = tpu.memref_slice %arg9[%select_n3A_39, %dma_start3A_61, %dma_start3A_62] : memref<2x128x128xf32, #tpu.memory_space<vmem>> -> memref<1x128x128xf32, #tpu.memory_space<vmem>>
        %dma_start3A_64 = tpu.memref_squeeze %dma_start3A_63 : memref<1x128x128xf32, #tpu.memory_space<vmem>> -> memref<128x128xf32, #tpu.memory_space<vmem>>
        %dma_start3A_65 = arith.constant 0 : i32
        %dma_start3A_66 = tpu.memref_slice %arg8[%select_n3A_39, %dma_start3A_65] : memref<2x128xi32, #tpu.memory_space<vmem>> -> memref<1x128xi32, #tpu.memory_space<vmem>>
        %dma_start3A_67 = tpu.memref_squeeze %dma_start3A_66 : memref<1x128xi32, #tpu.memory_space<vmem>> -> memref<128xi32, #tpu.memory_space<vmem>>
        %dma_start3A_68 = arith.constant 0 : i32
        %dma_start3A_69 = arith.constant 0 : i32
        %dma_start3A_70 = tpu.memref_slice %arg10[%dma_start3A_68, %dma_start3A_69] : memref<10240x128xf32, #tpu.memory_space<vmem_shared>> -> memref<10240x128xf32, #tpu.memory_space<vmem_shared>>
        tpu.enqueue_indirect_dma source(%dma_start3A_64 : memref<128x128xf32, #tpu.memory_space<vmem>>) target(%dma_start3A_70 : memref<10240x128xf32, #tpu.memory_space<vmem_shared>>) offsets(%dma_start3A_67 : memref<128xi32, #tpu.memory_space<vmem>>) semaphore(%run_scoped3A_60 : memref<!tpu.dma_semaphore, #tpu.memory_space<semaphore_mem>>) {add = true}
        %dma_wait3A_71 = arith.constant 0 : i32
        %dma_wait3A_72 = arith.constant 0 : i32
        %dma_wait3A_73 = tpu.memref_slice %arg9[%select_n3A_39, %dma_wait3A_71, %dma_wait3A_72] : memref<2x128x128xf32, #tpu.memory_space<vmem>> -> memref<1x128x128xf32, #tpu.memory_space<vmem>>
        %dma_wait3A_74 = tpu.memref_squeeze %dma_wait3A_73 : memref<1x128x128xf32, #tpu.memory_space<vmem>> -> memref<128x128xf32, #tpu.memory_space<vmem>>
        %dma_wait3A_75 = arith.constant 0 : i32
        %dma_wait3A_76 = tpu.memref_slice %arg8[%select_n3A_39, %dma_wait3A_75] : memref<2x128xi32, #tpu.memory_space<vmem>> -> memref<1x128xi32, #tpu.memory_space<vmem>>
        %dma_wait3A_77 = tpu.memref_squeeze %dma_wait3A_76 : memref<1x128xi32, #tpu.memory_space<vmem>> -> memref<128xi32, #tpu.memory_space<vmem>>
        %dma_wait3A_78 = arith.constant 0 : i32
        %dma_wait3A_79 = arith.constant 0 : i32
        %dma_wait3A_80 = tpu.memref_slice %arg10[%dma_wait3A_78, %dma_wait3A_79] : memref<10240x128xf32, #tpu.memory_space<vmem_shared>> -> memref<10240x128xf32, #tpu.memory_space<vmem_shared>>
        tpu.wait_indirect_dma semaphore(%run_scoped3A_60 : memref<!tpu.dma_semaphore, #tpu.memory_space<semaphore_mem>>) src(%dma_wait3A_74 : memref<128x128xf32, #tpu.memory_space<vmem>>) dst(%dma_wait3A_80 : memref<10240x128xf32, #tpu.memory_space<vmem_shared>>)
        tpu.yield
      }) : () -> ()
    }
    %scan3A_28 = arith.constant 157 : i32
    %barrier3A_29 = arith.constant 0 : index
    tpu.barrier barrier_id(%barrier3A_29)
    "tpu.region"() ({
      %run_scoped3A_30 = tpu.sem_alloc : memref<!tpu.dma_semaphore, #tpu.memory_space<semaphore_mem>>
      %dma_start3A_31 = arith.constant 0 : i32
      %dma_start3A_32 = tpu.memref_slice %arg6[%arg0, %mul3A_2, %dma_start3A_31] : memref<2x10240x128xf32, #tpu.memory_space<hbm>> -> memref<1x640x128xf32, #tpu.memory_space<hbm>>
      %dma_start3A_33 = tpu.memref_squeeze %dma_start3A_32 : memref<1x640x128xf32, #tpu.memory_space<hbm>> -> memref<640x128xf32, #tpu.memory_space<hbm>>
      %dma_start3A_34 = arith.constant 0 : i32
      %dma_start3A_35 = tpu.memref_slice %arg10[%mul3A_2, %dma_start3A_34] : memref<10240x128xf32, #tpu.memory_space<vmem_shared>> -> memref<640x128xf32, #tpu.memory_space<vmem_shared>>
      tpu.enqueue_dma source(%dma_start3A_35 : memref<640x128xf32, #tpu.memory_space<vmem_shared>>) target(%dma_start3A_33 : memref<640x128xf32, #tpu.memory_space<hbm>>) target_semaphore(%run_scoped3A_30 : memref<!tpu.dma_semaphore, #tpu.memory_space<semaphore_mem>>)
      %dma_wait3A = arith.constant 0 : i32
      %dma_wait3A_36 = tpu.memref_slice %arg6[%arg0, %mul3A_2, %dma_wait3A] : memref<2x10240x128xf32, #tpu.memory_space<hbm>> -> memref<1x640x128xf32, #tpu.memory_space<hbm>>
      %dma_wait3A_37 = tpu.memref_squeeze %dma_wait3A_36 : memref<1x640x128xf32, #tpu.memory_space<hbm>> -> memref<640x128xf32, #tpu.memory_space<hbm>>
      %dma_wait3A_38 = arith.constant 0 : i32
      %dma_wait3A_39 = tpu.memref_slice %arg10[%mul3A_2, %dma_wait3A_38] : memref<10240x128xf32, #tpu.memory_space<vmem_shared>> -> memref<640x128xf32, #tpu.memory_space<vmem_shared>>
      tpu.wait_dma2 semaphore(%run_scoped3A_30 : memref<!tpu.dma_semaphore, #tpu.memory_space<semaphore_mem>>) src(%dma_wait3A_39 : memref<640x128xf32, #tpu.memory_space<vmem_shared>>) dst(%dma_wait3A_37 : memref<640x128xf32, #tpu.memory_space<hbm>>)
      tpu.yield
    }) : () -> ()
    return
  }
}

module attributes {stable_mosaic.version = 14 : i64} {
  func.func @_prep_body(%arg0: i32, %arg1: memref<32x512xf32, #tpu.memory_space<vmem>>, %arg2: memref<512x128xf32, #tpu.memory_space<vmem>>, %arg3: memref<2x512x128xf32, #tpu.memory_space<vmem>>, %arg4: memref<512x1xf32, #tpu.memory_space<vmem>>) attributes {dimension_semantics = [#tpu.dimension_semantics<arbitrary>], iteration_bounds = array<i64: 20>, scalar_prefetch = 0 : i64, scratch_operands = 0 : i64, tpu.core_type = #tpu.core_type<tc>, window_params = [{transform_indices = @transform_0, window_bounds = array<i64: 32, 512>}, {transform_indices = @transform_1, window_bounds = array<i64: 512, 128>}, {transform_indices = @transform_2, window_bounds = array<i64: 2, 512, 128>}, {transform_indices = @transform_3, window_bounds = array<i64: 512, 1>}]} {
    %get3A = arith.constant 0 : index
    %get3A_0 = arith.constant 0 : index
    %get3A_1 = vector.load %arg1[%get3A, %get3A_0] : memref<32x512xf32, #tpu.memory_space<vmem>>, vector<32x512xf32>
    %broadcast_in_dim3A = arith.constant 1.000000e+00 : f32
    %broadcast_in_dim3A_2 = vector.broadcast %broadcast_in_dim3A : f32 to vector<32x1xf32>
    %dot_general3A = arith.constant dense<0.000000e+00> : vector<512x1xf32>
    %dot_general3A_3 = tpu.matmul %get3A_1, %broadcast_in_dim3A_2, %dot_general3A {dimension_numbers = #tpu.dot_dimension_numbers<[0], [0], [1], [1], [0, 1, 1, 1], [], []>, transpose_lhs_hint = false} : vector<32x512xf32>, vector<32x1xf32>, vector<512x1xf32> -> vector<512x1xf32>
    %add3A = arith.constant 1.000000e+00 : f32
    %add3A_4 = vector.broadcast %add3A : f32 to vector<512x1xf32>
    %add3A_5 = arith.addf %dot_general3A_3, %add3A_4 : vector<512x1xf32>
    %rsqrt3A = math.rsqrt %add3A_5 : vector<512x1xf32>
    %swap3A = arith.constant 0 : index
    %swap3A_6 = arith.constant 0 : index
    %swap3A_7 = vector.load %arg4[%swap3A, %swap3A_6] : memref<512x1xf32, #tpu.memory_space<vmem>>, vector<512x1xf32>
    tpu.vector_store %arg4[%swap3A, %swap3A_6], %rsqrt3A {strides = array<i32>} : memref<512x1xf32, #tpu.memory_space<vmem>>, vector<512x1xf32>,
    %get3A_8 = arith.constant 0 : index
    %get3A_9 = arith.constant 0 : index
    %get3A_10 = vector.load %arg2[%get3A_8, %get3A_9] : memref<512x128xf32, #tpu.memory_space<vmem>>, vector<512x128xf32>
    %mul3A = vector.broadcast %rsqrt3A : vector<512x1xf32> to vector<512x128xf32>
    %mul3A_11 = arith.mulf %get3A_10, %mul3A : vector<512x128xf32>
    %swap3A_12 = arith.constant 0 : index
    %swap3A_13 = arith.constant 0 : index
    %swap3A_14 = arith.constant 0 : index
    %swap3A_15 = vector.load %arg3[%swap3A_12, %swap3A_13, %swap3A_14] : memref<2x512x128xf32, #tpu.memory_space<vmem>>, vector<1x512x128xf32>
    %swap3A_16 = vector.shape_cast %swap3A_15 : vector<1x512x128xf32> to vector<512x128xf32>
    %swap3A_17 = vector.shape_cast %mul3A_11 : vector<512x128xf32> to vector<1x512x128xf32>
    tpu.vector_store %arg3[%swap3A_12, %swap3A_13, %swap3A_14], %swap3A_17 {strides = array<i32>} : memref<2x512x128xf32, #tpu.memory_space<vmem>>, vector<1x512x128xf32>,
    %swap3A_18 = arith.constant 1 : index
    %swap3A_19 = arith.constant 0 : index
    %swap3A_20 = arith.constant 0 : index
    %swap3A_21 = vector.load %arg3[%swap3A_18, %swap3A_19, %swap3A_20] : memref<2x512x128xf32, #tpu.memory_space<vmem>>, vector<1x512x128xf32>
    %swap3A_22 = vector.shape_cast %swap3A_21 : vector<1x512x128xf32> to vector<512x128xf32>
    %swap3A_23 = vector.shape_cast %mul3A_11 : vector<512x128xf32> to vector<1x512x128xf32>
    tpu.vector_store %arg3[%swap3A_18, %swap3A_19, %swap3A_20], %swap3A_23 {strides = array<i32>} : memref<2x512x128xf32, #tpu.memory_space<vmem>>, vector<1x512x128xf32>,
    return
  }
  func.func @transform_0(%arg0: i32) -> (i32, i32) {
    %c0_i32 = arith.constant 0 : i32
    %c0_i32_0 = arith.constant 0 : i32
    return %c0_i32, %arg0 : i32, i32
  }
  func.func @transform_1(%arg0: i32) -> (i32, i32) {
    %c0_i32 = arith.constant 0 : i32
    %c0_i32_0 = arith.constant 0 : i32
    return %arg0, %c0_i32 : i32, i32
  }
  func.func @transform_2(%arg0: i32) -> (i32, i32, i32) {
    %c0_i32 = arith.constant 0 : i32
    %c0_i32_0 = arith.constant 0 : i32
    %c0_i32_1 = arith.constant 0 : i32
    return %c0_i32, %arg0, %c0_i32_0 : i32, i32, i32
  }
  func.func @transform_3(%arg0: i32) -> (i32, i32) {
    %c0_i32 = arith.constant 0 : i32
    %c0_i32_0 = arith.constant 0 : i32
    return %arg0, %c0_i32 : i32, i32
  }
}

module attributes {stable_mosaic.version = 14 : i64} {
  func.func @_final_body(%arg0: i32, %arg1: memref<512x128xf32, #tpu.memory_space<vmem>>, %arg2: memref<512x128xf32, #tpu.memory_space<vmem>>, %arg3: memref<512x128xf32, #tpu.memory_space<vmem>>, %arg4: memref<512x1xf32, #tpu.memory_space<vmem>>, %arg5: memref<1x1x512xi32, #tpu.memory_space<vmem>>, %arg6: memref<128x256xf32, #tpu.memory_space<vmem>>, %arg7: memref<1x256xf32, #tpu.memory_space<vmem>>, %arg8: memref<256x2xf32, #tpu.memory_space<vmem>>, %arg9: memref<1x2xf32, #tpu.memory_space<vmem>>, %arg10: memref<64x2xf32, #tpu.memory_space<vmem>>, %arg11: memref<64x256xf32, #tpu.memory_space<vmem>>, %arg12: memref<64x256xf32, #tpu.memory_space<vmem>>, %arg13: memref<64x256xf32, #tpu.memory_space<vmem>>) attributes {dimension_semantics = [#tpu.dimension_semantics<arbitrary>], iteration_bounds = array<i64: 20>, scalar_prefetch = 0 : i64, scratch_operands = 2 : i64, tpu.core_type = #tpu.core_type<tc>, window_params = [{transform_indices = @transform_0, window_bounds = array<i64: 512, 128>}, {transform_indices = @transform_1, window_bounds = array<i64: 512, 128>}, {transform_indices = @transform_2, window_bounds = array<i64: 512, 128>}, {transform_indices = @transform_3, window_bounds = array<i64: 512, 1>}, {transform_indices = @transform_4, window_bounds = array<i64: 1, 1, 512>}, {pipeline_mode = #tpu.pipeline_mode<synchronous>, transform_indices = @transform_5, window_bounds = array<i64: 128, 256>}, {pipeline_mode = #tpu.pipeline_mode<synchronous>, transform_indices = @transform_6, window_bounds = array<i64: 1, 256>}, {pipeline_mode = #tpu.pipeline_mode<synchronous>, transform_indices = @transform_7, window_bounds = array<i64: 256, 2>}, {pipeline_mode = #tpu.pipeline_mode<synchronous>, transform_indices = @transform_8, window_bounds = array<i64: 1, 2>}, {pipeline_mode = #tpu.pipeline_mode<synchronous>, transform_indices = @transform_9, window_bounds = array<i64: 64, 2>}, {pipeline_mode = #tpu.pipeline_mode<synchronous>, transform_indices = @transform_10, window_bounds = array<i64: 64, 256>}]} {
    %eq3A = arith.constant 0 : i32
    %eq3A_0 = arith.cmpi eq, %arg0, %eq3A : i32
    %convert_element_type3A = arith.extui %eq3A_0 : i1 to i32
    %cond3A = arith.constant 0 : i32
    %cond3A_1 = arith.cmpi ne, %convert_element_type3A, %cond3A : i32
    scf.if %cond3A_1 {
      %broadcast_in_dim3A_59 = arith.constant 0.000000e+00 : f32
      %broadcast_in_dim3A_60 = vector.broadcast %broadcast_in_dim3A_59 : f32 to vector<64x256xf32>
      %swap3A_61 = arith.constant 0 : index
      %swap3A_62 = arith.constant 0 : index
      %swap3A_63 = vector.load %arg12[%swap3A_61, %swap3A_62] : memref<64x256xf32, #tpu.memory_space<vmem>>, vector<64x256xf32>
      tpu.vector_store %arg12[%swap3A_61, %swap3A_62], %broadcast_in_dim3A_60 {strides = array<i32>} : memref<64x256xf32, #tpu.memory_space<vmem>>, vector<64x256xf32>,
      %broadcast_in_dim3A_64 = arith.constant 0.000000e+00 : f32
      %broadcast_in_dim3A_65 = vector.broadcast %broadcast_in_dim3A_64 : f32 to vector<64x256xf32>
      %swap3A_66 = arith.constant 0 : index
      %swap3A_67 = arith.constant 0 : index
      %swap3A_68 = vector.load %arg13[%swap3A_66, %swap3A_67] : memref<64x256xf32, #tpu.memory_space<vmem>>, vector<64x256xf32>
      tpu.vector_store %arg13[%swap3A_66, %swap3A_67], %broadcast_in_dim3A_65 {strides = array<i32>} : memref<64x256xf32, #tpu.memory_space<vmem>>, vector<64x256xf32>,
    } else {
    }
    %get3A = arith.constant 0 : index
    %get3A_2 = arith.constant 0 : index
    %get3A_3 = vector.load %arg4[%get3A, %get3A_2] : memref<512x1xf32, #tpu.memory_space<vmem>>, vector<512x1xf32>
    %get3A_4 = arith.constant 0 : index
    %get3A_5 = arith.constant 0 : index
    %get3A_6 = vector.load %arg1[%get3A_4, %get3A_5] : memref<512x128xf32, #tpu.memory_space<vmem>>, vector<512x128xf32>
    %get3A_7 = arith.constant 0 : index
    %get3A_8 = arith.constant 0 : index
    %get3A_9 = vector.load %arg2[%get3A_7, %get3A_8] : memref<512x128xf32, #tpu.memory_space<vmem>>, vector<512x128xf32>
    %add3A = arith.addf %get3A_6, %get3A_9 : vector<512x128xf32>
    %get3A_10 = arith.constant 0 : index
    %get3A_11 = arith.constant 0 : index
    %get3A_12 = vector.load %arg3[%get3A_10, %get3A_11] : memref<512x128xf32, #tpu.memory_space<vmem>>, vector<512x128xf32>
    %add3A_13 = arith.addf %add3A, %get3A_12 : vector<512x128xf32>
    %mul3A = vector.broadcast %get3A_3 : vector<512x1xf32> to vector<512x128xf32>
    %mul3A_14 = arith.mulf %mul3A, %add3A_13 : vector<512x128xf32>
    %get3A_15 = arith.constant 0 : index
    %get3A_16 = arith.constant 0 : index
    %get3A_17 = vector.load %arg6[%get3A_15, %get3A_16] : memref<128x256xf32, #tpu.memory_space<vmem>>, vector<128x256xf32>
    %dot_general3A = arith.constant dense<0.000000e+00> : vector<512x256xf32>
    %dot_general3A_18 = tpu.matmul %mul3A_14, %get3A_17, %dot_general3A {dimension_numbers = #tpu.dot_dimension_numbers<[1], [0], [0], [1], [0, 0, 1, 1], [], []>, transpose_lhs_hint = false} : vector<512x128xf32>, vector<128x256xf32>, vector<512x256xf32> -> vector<512x256xf32>
    %get3A_19 = arith.constant 0 : index
    %get3A_20 = arith.constant 0 : index
    %get3A_21 = vector.load %arg7[%get3A_19, %get3A_20] : memref<1x256xf32, #tpu.memory_space<vmem>>, vector<1x256xf32>
    %add3A_22 = vector.broadcast %get3A_21 : vector<1x256xf32> to vector<512x256xf32>
    %add3A_23 = arith.addf %dot_general3A_18, %add3A_22 : vector<512x256xf32>
    %max3A = arith.constant 0.000000e+00 : f32
    %max3A_24 = vector.broadcast %max3A : f32 to vector<512x256xf32>
    %max3A_25 = arith.maximumf %add3A_23, %max3A_24 : vector<512x256xf32>
    %get3A_26 = arith.constant 0 : index
    %get3A_27 = arith.constant 0 : index
    %get3A_28 = arith.constant 0 : index
    %get3A_29 = vector.load %arg5[%get3A_26, %get3A_27, %get3A_28] : memref<1x1x512xi32, #tpu.memory_space<vmem>>, vector<1x1x512xi32>
    %get3A_30 = vector.shape_cast %get3A_29 : vector<1x1x512xi32> to vector<512xi32>
    %iota3A = tpu.iota {dimensions = array<i32: 0>} : vector<64x512xi32>
    %broadcast_in_dim3A = vector.shape_cast %get3A_30 : vector<512xi32> to vector<1x512xi32>
    %eq3A_31 = vector.broadcast %broadcast_in_dim3A : vector<1x512xi32> to vector<64x512xi32>
    %eq3A_32 = arith.cmpi eq, %iota3A, %eq3A_31 : vector<64x512xi32>
    %convert_element_type3A_33 = arith.extui %eq3A_32 : vector<64x512xi1> to vector<64x512xi32>
    %convert_element_type3A_34 = arith.sitofp %convert_element_type3A_33 : vector<64x512xi32> to vector<64x512xf32>
    %get3A_35 = arith.constant 0 : index
    %get3A_36 = arith.constant 0 : index
    %get3A_37 = vector.load %arg12[%get3A_35, %get3A_36] : memref<64x256xf32, #tpu.memory_space<vmem>>, vector<64x256xf32>
    %dot_general3A_38 = arith.constant dense<0.000000e+00> : vector<64x256xf32>
    %dot_general3A_39 = tpu.matmul %convert_element_type3A_34, %max3A_25, %dot_general3A_38 {dimension_numbers = #tpu.dot_dimension_numbers<[1], [0], [0], [1], [0, 0, 1, 1], [], []>, transpose_lhs_hint = false} : vector<64x512xf32>, vector<512x256xf32>, vector<64x256xf32> -> vector<64x256xf32>
    %add3A_40 = arith.addf %get3A_37, %dot_general3A_39 : vector<64x256xf32>
    %swap3A = arith.constant 0 : index
    %swap3A_41 = arith.constant 0 : index
    %swap3A_42 = vector.load %arg12[%swap3A, %swap3A_41] : memref<64x256xf32, #tpu.memory_space<vmem>>, vector<64x256xf32>
    tpu.vector_store %arg12[%swap3A, %swap3A_41], %add3A_40 {strides = array<i32>} : memref<64x256xf32, #tpu.memory_space<vmem>>, vector<64x256xf32>,
    %get3A_43 = arith.constant 0 : index
    %get3A_44 = arith.constant 0 : index
    %get3A_45 = vector.load %arg13[%get3A_43, %get3A_44] : memref<64x256xf32, #tpu.memory_space<vmem>>, vector<64x256xf32>
    %broadcast_in_dim3A_46 = arith.constant 1.000000e+00 : f32
    %broadcast_in_dim3A_47 = vector.broadcast %broadcast_in_dim3A_46 : f32 to vector<512x256xf32>
    %dot_general3A_48 = arith.constant dense<0.000000e+00> : vector<64x256xf32>
    %dot_general3A_49 = tpu.matmul %convert_element_type3A_34, %broadcast_in_dim3A_47, %dot_general3A_48 {dimension_numbers = #tpu.dot_dimension_numbers<[1], [0], [0], [1], [0, 0, 1, 1], [], []>, transpose_lhs_hint = false} : vector<64x512xf32>, vector<512x256xf32>, vector<64x256xf32> -> vector<64x256xf32>
    %add3A_50 = arith.addf %get3A_45, %dot_general3A_49 : vector<64x256xf32>
    %swap3A_51 = arith.constant 0 : index
    %swap3A_52 = arith.constant 0 : index
    %swap3A_53 = vector.load %arg13[%swap3A_51, %swap3A_52] : memref<64x256xf32, #tpu.memory_space<vmem>>, vector<64x256xf32>
    tpu.vector_store %arg13[%swap3A_51, %swap3A_52], %add3A_50 {strides = array<i32>} : memref<64x256xf32, #tpu.memory_space<vmem>>, vector<64x256xf32>,
    %eq3A_54 = arith.constant 19 : i32
    %eq3A_55 = arith.cmpi eq, %arg0, %eq3A_54 : i32
    %convert_element_type3A_56 = arith.extui %eq3A_55 : i1 to i32
    %cond3A_57 = arith.constant 0 : i32
    %cond3A_58 = arith.cmpi ne, %convert_element_type3A_56, %cond3A_57 : i32
    scf.if %cond3A_58 {
      %get3A_59 = arith.constant 0 : index
      %get3A_60 = arith.constant 0 : index
      %get3A_61 = vector.load %arg12[%get3A_59, %get3A_60] : memref<64x256xf32, #tpu.memory_space<vmem>>, vector<64x256xf32>
      %get3A_62 = arith.constant 0 : index
      %get3A_63 = arith.constant 0 : index
      %get3A_64 = vector.load %arg13[%get3A_62, %get3A_63] : memref<64x256xf32, #tpu.memory_space<vmem>>, vector<64x256xf32>
      %max3A_65 = arith.constant 1.000000e+00 : f32
      %max3A_66 = vector.broadcast %max3A_65 : f32 to vector<64x256xf32>
      %max3A_67 = arith.maximumf %get3A_64, %max3A_66 : vector<64x256xf32>
      %div3A = arith.divf %get3A_61, %max3A_67 : vector<64x256xf32>
      %swap3A_68 = arith.constant 0 : index
      %swap3A_69 = arith.constant 0 : index
      %swap3A_70 = vector.load %arg11[%swap3A_68, %swap3A_69] : memref<64x256xf32, #tpu.memory_space<vmem>>, vector<64x256xf32>
      tpu.vector_store %arg11[%swap3A_68, %swap3A_69], %div3A {strides = array<i32>} : memref<64x256xf32, #tpu.memory_space<vmem>>, vector<64x256xf32>,
      %get3A_71 = arith.constant 0 : index
      %get3A_72 = arith.constant 0 : index
      %get3A_73 = vector.load %arg8[%get3A_71, %get3A_72] : memref<256x2xf32, #tpu.memory_space<vmem>>, vector<256x2xf32>
      %dot_general3A_74 = arith.constant dense<0.000000e+00> : vector<64x2xf32>
      %dot_general3A_75 = tpu.matmul %div3A, %get3A_73, %dot_general3A_74 {dimension_numbers = #tpu.dot_dimension_numbers<[1], [0], [0], [1], [0, 0, 1, 1], [], []>, transpose_lhs_hint = false} : vector<64x256xf32>, vector<256x2xf32>, vector<64x2xf32> -> vector<64x2xf32>
      %get3A_76 = arith.constant 0 : index
      %get3A_77 = arith.constant 0 : index
      %get3A_78 = vector.load %arg9[%get3A_76, %get3A_77] : memref<1x2xf32, #tpu.memory_space<vmem>>, vector<1x2xf32>
      %add3A_79 = vector.broadcast %get3A_78 : vector<1x2xf32> to vector<64x2xf32>
      %add3A_80 = arith.addf %dot_general3A_75, %add3A_79 : vector<64x2xf32>
      %swap3A_81 = arith.constant 0 : index
      %swap3A_82 = arith.constant 0 : index
      %swap3A_83 = vector.load %arg10[%swap3A_81, %swap3A_82] : memref<64x2xf32, #tpu.memory_space<vmem>>, vector<64x2xf32>
      tpu.vector_store %arg10[%swap3A_81, %swap3A_82], %add3A_80 {strides = array<i32>} : memref<64x2xf32, #tpu.memory_space<vmem>>, vector<64x2xf32>,
    } else {
    }
    return
  }
  func.func @transform_0(%arg0: i32) -> (i32, i32) {
    %c0_i32 = arith.constant 0 : i32
    %c0_i32_0 = arith.constant 0 : i32
    return %arg0, %c0_i32 : i32, i32
  }
  func.func @transform_1(%arg0: i32) -> (i32, i32) {
    %c0_i32 = arith.constant 0 : i32
    %c0_i32_0 = arith.constant 0 : i32
    return %arg0, %c0_i32 : i32, i32
  }
  func.func @transform_2(%arg0: i32) -> (i32, i32) {
    %c0_i32 = arith.constant 0 : i32
    %c0_i32_0 = arith.constant 0 : i32
    return %arg0, %c0_i32 : i32, i32
  }
  func.func @transform_3(%arg0: i32) -> (i32, i32) {
    %c0_i32 = arith.constant 0 : i32
    %c0_i32_0 = arith.constant 0 : i32
    return %arg0, %c0_i32 : i32, i32
  }
  func.func @transform_4(%arg0: i32) -> (i32, i32, i32) {
    %c0_i32 = arith.constant 0 : i32
    %c0_i32_0 = arith.constant 0 : i32
    %c0_i32_1 = arith.constant 0 : i32
    return %arg0, %c0_i32, %c0_i32_0 : i32, i32, i32
  }
  func.func @transform_5(%arg0: i32) -> (i32, i32) {
    %c0_i32 = arith.constant 0 : i32
    %c0_i32_0 = arith.constant 0 : i32
    %c0_i32_1 = arith.constant 0 : i32
    return %c0_i32, %c0_i32_0 : i32, i32
  }
  func.func @transform_6(%arg0: i32) -> (i32, i32) {
    %c0_i32 = arith.constant 0 : i32
    %c0_i32_0 = arith.constant 0 : i32
    %c0_i32_1 = arith.constant 0 : i32
    return %c0_i32, %c0_i32_0 : i32, i32
  }
  func.func @transform_7(%arg0: i32) -> (i32, i32) {
    %c0_i32 = arith.constant 0 : i32
    %c0_i32_0 = arith.constant 0 : i32
    %c0_i32_1 = arith.constant 0 : i32
    return %c0_i32, %c0_i32_0 : i32, i32
  }
  func.func @transform_8(%arg0: i32) -> (i32, i32) {
    %c0_i32 = arith.constant 0 : i32
    %c0_i32_0 = arith.constant 0 : i32
    %c0_i32_1 = arith.constant 0 : i32
    return %c0_i32, %c0_i32_0 : i32, i32
  }
  func.func @transform_9(%arg0: i32) -> (i32, i32) {
    %c0_i32 = arith.constant 0 : i32
    %c0_i32_0 = arith.constant 0 : i32
    %c0_i32_1 = arith.constant 0 : i32
    return %c0_i32, %c0_i32_0 : i32, i32
  }
  func.func @transform_10(%arg0: i32) -> (i32, i32) {
    %c0_i32 = arith.constant 0 : i32
    %c0_i32_0 = arith.constant 0 : i32
    %c0_i32_1 = arith.constant 0 : i32
    return %c0_i32, %c0_i32_0 : i32, i32
  }
}

</mosaic_0001>

<sc_bundles>
// kernel: kernel.6.cloned.1.call-start
scs
__scs_entry_jumppad:
0x0: {  	(pc) =	sbr.rel $0x88, $3  }
0x1: {  	(tag) =	ssettag $0x0;
	lr =	simm.s32 $0x1  }
0x2: {  	[smem:$0x3F9A] =	sst lr;
	_ =	strace $0xD0000000  }
0x3: {  	_ = 	snop  }
0x4: {  	_ = 	snop  }
0x5: {  	_ = 	snop  }
0x6: {  	_ = 	snop  }
0x7: {  	_ = 	snop  }
__scs_overlays_trampoline_lowered:
0x8: {  	[smem:$0x3FA9] =	sst s0  }
0x9: {  	[smem:$0x3FAA] =	sst s1  }
0xa: {  	[smem:$0x3FAB] =	sst s2  }
0xb: {  	[smem:$0x3FAC] =	sst s3  }
0xc: {  	[smem:$0x3FAD] =	sst s4  }
0xd: {  	[smem:$0x3FAE] =	sst s5  }
0xe: {  	[smem:$0x3FAF] =	sst s6  }
0xf: {  	[smem:$0x3FB0] =	sst s7  }
0x10: {  	[smem:$0x3FB1] =	sst s8  }
0x11: {  	[smem:$0x3FB2] =	sst s9;
	s0 =	simm.s32 @!p0 $0x0  }
0x12: {  	s1 =	sld [smem:$0x3F98];
	s0 =	simm.s32 @p0 $0x1  }
0x13: {  	[smem:$0x3FB3] =	sst s0;
	s0 =	simm.s32 @!p1 $0x0  }
0x14: {  	s2 =	sld [smem:$0x3F97];
	s0 =	simm.s32 @p1 $0x1  }
0x15: {  	[smem:$0x3FB4] =	sst s0;
	s0 =	simm.s32 @!p2 $0x0  }
0x16: {  	s3 =	sld [smem:$0x3FDB];
	s0 =	simm.s32 @p2 $0x1  }
0x17: {  	s4 =	simm.s32 $0x1BF5;
	[smem:$0x3FB6] =	sst s0  }
0x18: {  	s0 =	sld [smem:$0x3F99];
	_ =	swait.ge [sflag:s4], $0x0  }
0x19: {  	s7 =	sld [smem:$0x3F9A]  }
0x1a: {  	s8 =	sadd.s32 $0xFFFFE003, lr  }
0x1b: {  	s9 =	sadd.s32 $0xFFFFFEF7, lr;
	s5 =	simm.s32 $0xFFFFFFFF;
	p2 =	slt.u32 s8, $0xFFFFF086  }
0x1c: {  	p1 =	slt.u32 s9, $0xF7A;
	s5 =	simm.s32 @!p2 $0x0  }
0x1d: {  	s5 =	simm.s32 @p1 $0x1;
	p0 =	seq.s32 s7, s2  }
0x1e: {  	s7 =	smul.u32 @!p0 $0xF7A, s2;
	p2 =	seq.s32 @!p0 s5, $0x0  }
0x1f: {  	s9 =	smul.u32 $0xF7A, s1;
	s8 =	simm.s32 @!p0 $0x1BF5;
	p2 =	por !p2, p0  }
0x20: {  	[sflag:s8] =	ssyncset.s32 @!p0 $0xFFFFF086;
	s6 =	sadd.s32 @!p0 s3, s7;
	s7 =	simm.s32 @!p0 $0x108  }
0x21: {  	s3 =	sadd.s32 s3, s9;
	s6 =	sadd.s32 @!p0 $0x88, s6;
	s7 =	simm.s32 @p2 $0x1082  }
0x22: {  	[simem:s7], [sflag:s8] =	dma.local @!p0 [hbm:s6], $0xF7A  }
0x23: {  	s9 =	sor.u32 $0xD0000000, s2;
	s6 =	simm.s32 $0x108;
	_ =	swait.ge @!p0 [sflag:s8], $0x0  }
0x24: {  	s3 =	sadd.s32 $0x88, s3;
	s6 =	simm.s32 @!p1 $0x1082;
	[sflag:s4] =	ssyncset.s32 $0xFFFFF086  }
0x25: {  	[simem:s6], [sflag:s4] =	dma.local [hbm:s3], $0xF7A  }
0x26: {  	[smem:$0x3F9A] =	sst s1;
	(tag) =	ssettag s2;
	_ =	strace s9  }
0x27: {  	s1 =	sld [smem:$0x3FAA]  }
0x28: {  	s2 =	sld [smem:$0x3FAB]  }
0x29: {  	s4 =	sld [smem:$0x3FAD]  }
0x2a: {  	p0 =	seq.s32 s5, $0x0;
	s5 =	sld [smem:$0x3FAE]  }
0x2b: {  	s6 =	sld [smem:$0x3FAF]  }
0x2c: {  	s7 =	sld [smem:$0x3FB0]  }
0x2d: {  	s3 =	simm.s32 $0x108;
	s8 =	sld [smem:$0x3FB1]  }
0x2e: {  	s3 =	simm.s32 @!p0 $0x1082;
	s9 =	sld [smem:$0x3FB2]  }
0x2f: {  	lr =	sadd.s32 s0, s3;
	s0 =	sld [smem:$0x3FA9]  }
0x30: {  	s3 =	sld [smem:$0x3FAC]  }
0x31: {  	[smem:$0x3FB5] =	sst s10  }
0x32: {  	s10 =	sld [smem:$0x3FB3];
	_ =	sdelay $0x3  }
0x33: {  	p0 =	seq.s32 s10, $0x1;
	s10 =	sld [smem:$0x3FB5];
	_ =	sdelay $0x3  }
0x34: {  	[smem:$0x3FB5] =	sst s10  }
0x35: {  	s10 =	sld [smem:$0x3FB4];
	_ =	sdelay $0x3  }
0x36: {  	p1 =	seq.s32 s10, $0x1;
	s10 =	sld [smem:$0x3FB5];
	_ =	sdelay $0x3  }
0x37: {  	[smem:$0x3FB5] =	sst s10  }
0x38: {  	s10 =	sld [smem:$0x3FB6]  }
0x39: {  	_ = 	snop;
	(pc) =	sbr.ind lr, $3  }
0x3a: {  	_ = 	snop  }
0x3b: {  	_ = 	snop  }
0x3c: {  	p2 =	seq.s32 s10, $0x1;
	s10 =	sld [smem:$0x3FB5]  }
0x3d: {  	_ =	shalt  }
0x3e: {  	_ =	shalt  }
0x3f: {  	_ =	shalt  }
0x40: {  	_ =	shalt  }
0x41: {  	_ =	shalt  }
0x42: {  	_ =	shalt  }
0x43: {  	_ =	shalt  }
0x44: {  	_ =	shalt  }
0x45: {  	_ =	shalt  }
0x46: {  	_ =	shalt  }
0x47: {  	_ =	shalt  }
0x48: {  	_ =	shalt  }
0x49: {  	_ =	shalt  }
0x4a: {  	_ =	shalt  }
0x4b: {  	_ =	shalt  }
0x4c: {  	_ =	shalt  }
0x4d: {  	_ =	shalt  }
0x4e: {  	_ =	shalt  }
0x4f: {  	_ =	shalt  }
0x50: {  	_ =	shalt  }
0x51: {  	_ =	shalt  }
0x52: {  	_ =	shalt  }
0x53: {  	_ =	shalt  }
0x54: {  	_ =	shalt  }
0x55: {  	_ =	shalt  }
0x56: {  	_ =	shalt  }
0x57: {  	_ =	shalt  }
0x58: {  	_ =	shalt  }
0x59: {  	_ =	shalt  }
0x5a: {  	_ =	shalt  }
0x5b: {  	_ =	shalt  }
0x5c: {  	_ =	shalt  }
0x5d: {  	_ =	shalt  }
0x5e: {  	_ =	shalt  }
0x5f: {  	_ =	shalt  }
0x60: {  	_ =	shalt  }
0x61: {  	_ =	shalt  }
0x62: {  	_ =	shalt  }
0x63: {  	_ =	shalt  }
0x64: {  	_ =	shalt  }
0x65: {  	_ =	shalt  }
0x66: {  	_ =	shalt  }
0x67: {  	_ =	shalt  }
0x68: {  	_ =	shalt  }
0x69: {  	_ =	shalt  }
0x6a: {  	_ =	shalt  }
0x6b: {  	_ =	shalt  }
0x6c: {  	_ =	shalt  }
0x6d: {  	_ =	shalt  }
0x6e: {  	_ =	shalt  }
0x6f: {  	_ =	shalt  }
0x70: {  	_ =	shalt  }
0x71: {  	_ =	shalt  }
0x72: {  	_ =	shalt  }
0x73: {  	_ =	shalt  }
0x74: {  	_ =	shalt  }
0x75: {  	_ =	shalt  }
0x76: {  	_ =	shalt  }
0x77: {  	_ =	shalt  }
0x78: {  	_ =	shalt  }
0x79: {  	_ =	shalt  }
0x7a: {  	_ =	shalt  }
0x7b: {  	_ =	shalt  }
0x7c: {  	_ =	shalt  }
0x7d: {  	_ =	shalt  }
0x7e: {  	_ =	shalt  }
0x7f: {  	_ =	shalt  }
0x80: {  	_ =	shalt  }
0x81: {  	_ =	shalt  }
0x82: {  	_ =	shalt  }
0x83: {  	_ =	shalt  }
0x84: {  	_ =	shalt  }
0x85: {  	_ =	shalt  }
0x86: {  	_ =	shalt  }
0x87: {  	_ =	shalt  }
.Lfunc_end0:
.L_simem_size_0:
called_computation_lowered:
.L_overlay_start_0:
0x88: {  	s2 =	sld [smem:$0x3FD9]  }
0x89: {  	s3 =	sld [smem:$0x3FFE];
	_ =	sdelay $0x1  }
0x8a: {  	s1 =	srdreg.scid  }
0x8b: {  	s0 =	sand.u32 $0x1, s1  }
0x8c: {  	s16 =	sshll.u32 s0, $0xA;
	s2 =	sadd.s32 s3, s2  }
0x8d: {  	s2 =	sadd.s32 s2, s16  }
0x8e: {  	[smem:$0x3FC1] =	sst s2  }
0x8f: {  	_ = 	snop  }
0x90: {  	(tm) =	ssettm $0x1  }
0x91: {  	s17 =	sld [smem:$0x3FFB];
	_ =	sdelay $0x3  }
0x92: {  	_ =	strace s17  }
0x93: {  	s2 =	sld [smem:$0x3FFC];
	_ =	sdelay $0x3  }
0x94: {  	_ =	strace s2  }
0x95: {  	s2 =	sld [smem:$0x3FFD];
	_ =	sdelay $0x3  }
0x96: {  	_ =	strace s2  }
0x97: {  	_ =	strace $0x8FFFFFFF  }
0x98: {  	s18 =	sld [smem:$0x3FDB];
	_ =	sdelay $0x1  }
0x99: {  	s19 =	simm.s32 $_scs_section_size  }
0x9a: {  	s4 =	simm.s32 $_size__tile_overlayer_lowered;
	s5 =	simm.s32 $_tile_overlayer_lowered  }
0x9b: {  	s22 =	simm.s32 $0x1BFF;
	s21 =	sshll.u32 s5, $0x1;
	s2 =	sadd.s32 s19, s18  }
0x9c: {  	s6 =	simm.s32 $0x0;
	s20 =	sshll.u32 s4, $0x1;
	s4 =	sadd.s32 s21, s2  }
0x9d: {  	[timem:s6], [sflag:s22] =	dma.local [hbm:s4], s20  }
0x9e: {  	_ =	swait.ge [sflag:s22], s20  }
0x9f: {  	s3 =	ssub.s32 $0x0, s20;
	[sflag:s22] =	ssyncset.done $0x0  }
0xa0: {  	[sflag:s22] =	ssyncadd.s32 s3;
	_ =	sdelay $0x1  }
0xa1: {  	s23 =	simm.s32 $0x1B8B  }
0xa2: {  	_ =	swait.ge [sflag:s23], $0x1  }
0xa3: {  	[sflag:s23] =	ssyncset.done $0x0  }
0xa4: {  	s25 =	simm.s32 $0x1B8E;
	s24 =	sld [smem:$0x3FFE];
	[sflag:s23] =	ssyncadd.s32 $0xFFFFFFFF  }
0xa5: {  	s26 =	simm.s32 $execute0_lowered;
	[smem:$0x3FD2] =	sst s25  }
0xa6: {  	s4 =	sshll.u32 s26, $0x1;
	_ =	strace $0x80000046;
	[dreg:$0x1] =	wrdreg $0xFFFFFFFF  }
0xa7: {  	s28 =	simm.s32 $_size_execute0_lowered;
	s2 =	sadd.s32 s2, s4;
	[dreg:$0x0] =	wrdreg $0x0  }
0xa8: {  	s4 =	sshll.u32 s28, $0x1;
	[dreg:$0x2] =	wrdreg s2  }
0xa9: {  	[dreg:$0x3] =	wrdreg s4  }
0xaa: {  	[dreg:$0x4] =	wrdreg $0xC0  }
0xab: {  	_ =	task [dreg:s6], $0x5FFFF  }
0xac: {  	[dreg:$0x1] =	wrdreg $0xFFFFFFFF  }
0xad: {  	[dreg:$0x0] =	wrdreg $0x60  }
0xae: {  	[dreg:$0x2] =	wrdreg s24  }
0xaf: {  	[dreg:$0x3] =	wrdreg $0x9  }
0xb0: {  	_ =	task.clear_ibuf [dreg:s6], $0x4FFFF;
	_ =	strace $0x90000046  }
0xb1: {  	s29 =	simm.s32 $0x9;
	_ =	strace $0x80000048  }
0xb2: {  	_ =	swait.ge [sflag:s29], $0x1  }
0xb3: {  	[sflag:s29] =	ssyncadd.s32 $0xFFFFFFFF  }
0xb4: {  	_ =	strace $0x90000048  }
0xb5: {  	_ =	sfence  }
0xb6: {  	s30 =	sld [smem:$0x0];
	_ =	sdelay $0x2  }
0xb7: {  	s31 =	sshll.u32 s1, $0xD;
	s1 =	sshrl.u32 s1, $0x2  }
0xb8: {  	s3 =	sand.u32 $0x4000, s31;
	s1 =	sadd.s32 s1, s30  }
0xb9: {  	s0 =	sor.u32 s3, s0;
	s1 =	sshll.u32 s1, $0x11  }
0xba: {  	s0 =	sor.u32 s1, s0  }
0xbb: {  	s0 =	sadd.s32 $0x8F2B, s0  }
0xbc: {  	[sflag:s0] =	ssyncadd.remote.s32 $0x1  }
0xbd: {  	_ =	sfence.sel $0xFFFF  }
0xbe: {  	[dreg:$0x0] =	wrdreg $0xFFFFFFFF;
	(pc) =	sbr.abs _section_cstart, $3  }
0xbf: {  	[dreg:$0x1] =	wrdreg $0xFFFFFFFF  }
0xc0: {  	_ =	task.clear_ibuf [dreg:s6], $0x2FFFF;
	_ =	strace $0x9FFFFFFF  }
0xc1: {  	(tm) =	ssettm $0x7FFFFFFF  }
tec
execute0_lowered:
.L_overlay_start_1:
0x0: {  	(tag) =	ssettag $0x1  }
0x1: {  	s0 =	srdreg.scid  }
0x2: {  	s4 =	rddreg [dreg:$0x0];
	s2 =	simm.s32 $0x0;
	s3 =	sand.u32 $0x1, s0  }
0x3: {  	s8 =	simm.s32 $0x80;
	s0 =	stileid.u32;
	s1 =	sshll.u32 s3, $0x4  }
0x4: {  	s9 =	simm.s32 $0x400;
	s10 =	simm.s32 $0x2;
	s5 =	sor.u32 s0, s1  }
0x5: {  	s11 =	simm.s32 $0x0;
	[smem:$0x7FF] =	sst s2;
	s6 =	sshrl.u32 s5, $0x3  }
0x6: {  	s7 =	sshll.u32 s0, $0x7;
	s3 =	ssub.s32 $0x2, s3;
	s6 =	smul.u32 $0x14000, s6  }
0x7: {  	s1 =	rddreg [dreg:$0x1];
	s7 =	sand.u32 $0x380, s7;
	s5 =	smul.u32 $0xA00, s5  }
0x8: {  	_ =	strace $0x80000047;
	s30 =	sshrl.u32 s3, $0x1;
	s6 =	sor.u32 s7, s6  }
0x9: {  	s31 =	ssub.s32 s3, s30;
	s5 =	sadd.s32 s5, s4;
	s6 =	sshrl.u32 s6, $0x3  }
0xa: {  	s3 =	sadd.s32 $0x3200, s5;
	s5 =	smax.u32 s31, $0x1;
	s4 =	sadd.s32 s6, s4  }
0xb: {  	v0 =	vimm.f32 $0.0e+00;
	v1 =	vimm.f32 $1.000000000e+00;
	s7 =	simm.s32 $0x5000;
	s6 =	simm.s32 $0x1;
	s4 =	sadd.s32 $0x17200, s4  }
.LBB2_1:
0xc: {  	[tilespmem:s2], [sflag:$0x1] =	stream.linear.gather [hbm4b:s3+s2], $0x4E80, $0x38;
	[tilespmem:$0x7800] =	vst v63  }
0xd: {  	s12 =	simm.s32 $0x40;
	s13 =	simm.s32 $0x0  }
.LBB2_2:
0xe: {  	p0 =	sne.s32 s12, $0x9FC0;
	[tilespmem:s13+$0x5000] =	vst v0;
	s13 =	smov.u32 s12;
	s12 =	sadd.s32 $0x40, s12  }
.Ltmp0:
0xf: {  	(pc) =	sbr.rel @p0 .LBB2_2-.Ltmp0, $2  }
0x10: {  	_ =	sdelay $0x2  }
0x11: {  	s13 =	sshra.s32 s13, $0x2  }
0x12: {  	[tilespmem:s13+$0x5000] =	vst v0  }
0x13: {  	_ =	swait.ge [sflag:s6], $0x4E80  }
0x14: {  	[sflag:s6] =	ssyncset.done $0x0  }
0x15: {  	s12 =	simm.s32 $0x0;
	[sflag:s6] =	ssyncadd.s32 $0xFFFFB180  }
.LBB2_4:
0x16: {  	s13 =	sshra.s32 s12, $0x2  }
0x17: {  	v2 =	vld [tilespmem:s13+$0x0];
	_ =	sdelay $0x7  }
0x18: {  	[tilespmem:v2+s7+$0x0] =	vst.idx.add.f32.msk $0xffff, v1  }
0x19: {  	v2 =	vld [tilespmem:s13+$0x10];
	_ =	sdelay $0x7  }
0x1a: {  	[tilespmem:v2+s7+$0x0] =	vst.idx.add.f32.msk $0xffff, v1  }
0x1b: {  	v2 =	vld [tilespmem:s13+$0x20];
	_ =	sdelay $0x7  }
0x1c: {  	[tilespmem:v2+s7+$0x0] =	vst.idx.add.f32.msk $0xffff, v1  }
0x1d: {  	v2 =	vld [tilespmem:s13+$0x30];
	_ =	sdelay $0x7  }
0x1e: {  	[tilespmem:v2+s7+$0x0] =	vst.idx.add.f32.msk $0xffff, v1  }
0x1f: {  	v2 =	vld [tilespmem:s13+$0x40];
	_ =	sdelay $0x7  }
0x20: {  	[tilespmem:v2+s7+$0x0] =	vst.idx.add.f32.msk $0xffff, v1  }
0x21: {  	v2 =	vld [tilespmem:s13+$0x50];
	_ =	sdelay $0x7  }
0x22: {  	[tilespmem:v2+s7+$0x0] =	vst.idx.add.f32.msk $0xffff, v1  }
0x23: {  	v2 =	vld [tilespmem:s13+$0x60];
	_ =	sdelay $0x7  }
0x24: {  	[tilespmem:v2+s7+$0x0] =	vst.idx.add.f32.msk $0xffff, v1  }
0x25: {  	v2 =	vld [tilespmem:s13+$0x70];
	_ =	sdelay $0x2  }
0x26: {  	p0 =	sne.s32 s12, $0x13800  }
.Ltmp1:
0x27: {  	_ = 	snop;
	(pc) =	sbr.rel @p0 .LBB2_4-.Ltmp1, $2  }
0x28: {  	_ =	sdelay $0x2  }
0x29: {  	s12 =	sadd.s32 $0x200, s12;
	[tilespmem:v2+s7+$0x0] =	vst.idx.add.f32.msk $0xffff, v1  }
0x2a: {  	s11 =	sadd.s32 $0x1, s11  }
0x2b: {  	p0 =	sne.s32 s11, s5  }
.Ltmp2:
0x2c: {  	_ = 	snop;
	(pc) =	sbr.rel @p0 .LBB2_1-.Ltmp2, $4  }
0x2d: {  	[hbm4b:s4+s8] =	stream.strided.scatter [tilespmem:s7], [sflag:$0x2], $0x2800, s9, s8, $0x38;
	[tilespmem:$0x7800] =	vst v63  }
0x2e: {  	_ =	swait.ge [sflag:s10], $0x2800  }
0x2f: {  	[sflag:s10] =	ssyncset.done $0x0  }
0x30: {  	[sflag:s10] =	ssyncadd.s32 $0xFFFFD800  }
0x31: {  	_ =	sfence.sel $0x180000  }
0x32: {  	[bflag:$0x0] =	sbarrier.arrive $0xFFFF  }
0x33: {  	p0 =	sne.s32 s0, $0x0;
	_ =	strace $0x90000047  }
0x34: {  	s0 =	sadd.s32 @!p0 $0x100000, s1;
	[bflag:$0x2] =	sbarrier.arrive $0xFFFF  }
0x35: {  	[sflag:s0] =	ssyncadd.tile.s32 @!p0 $0x1;
	_ =	shalt  }
.Lfunc_end2:
_tile_overlayer_lowered:
.L_overlay_start_2:
0x36: {  	(tag) =	ssettag $0x2  }
0x37: {  	s0 =	rddreg [dreg:$0x0];
	s2 =	stileid.u32  }
0x38: {  	s1 =	rddreg [dreg:$0x1];
	p0 =	sne.s32 s2, $0x0  }
0x39: {  	s3 =	rddreg [dreg:$0x2];
	[bflag:$0x3] =	sbarrier.arrive $0xFFFF;
	s2 =	simm.s32 @!p0 $0x1C02  }
0x3a: {  	[timem:s3], [sflag:s2] =	dma.local @!p0 [hbm:s0], s1  }
0x3b: {  	s0 =	simm.s32 @!p0 $0x2  }
0x3c: {  	_ =	swait.ge @!p0 [sflag:s0], s1  }
0x3d: {  	s1 =	ssub.s32 @!p0 $0x0, s1;
	[sflag:s0] =	ssyncset.done @!p0 $0x0  }
0x3e: {  	[sflag:s0] =	ssyncadd.s32 @!p0 s1  }
0x3f: {  	[bflag:$0x3] =	sbarrier.arrive $0xFFFF  }
0x40: {  	_ =	shalt  }

// kernel: kernel.9.cloned.1.call-start
scs
__scs_entry_jumppad:
0x0: {  	(pc) =	sbr.rel $0x88, $3  }
0x1: {  	(tag) =	ssettag $0x0;
	lr =	simm.s32 $0x1  }
0x2: {  	[smem:$0x3F9A] =	sst lr;
	_ =	strace $0xD0000000  }
0x3: {  	_ = 	snop  }
0x4: {  	_ = 	snop  }
0x5: {  	_ = 	snop  }
0x6: {  	_ = 	snop  }
0x7: {  	_ = 	snop  }
__scs_overlays_trampoline_lowered:
0x8: {  	[smem:$0x3FA9] =	sst s0  }
0x9: {  	[smem:$0x3FAA] =	sst s1  }
0xa: {  	[smem:$0x3FAB] =	sst s2  }
0xb: {  	[smem:$0x3FAC] =	sst s3  }
0xc: {  	[smem:$0x3FAD] =	sst s4  }
0xd: {  	[smem:$0x3FAE] =	sst s5  }
0xe: {  	[smem:$0x3FAF] =	sst s6  }
0xf: {  	[smem:$0x3FB0] =	sst s7  }
0x10: {  	[smem:$0x3FB1] =	sst s8  }
0x11: {  	[smem:$0x3FB2] =	sst s9;
	s0 =	simm.s32 @!p0 $0x0  }
0x12: {  	s1 =	sld [smem:$0x3F98];
	s0 =	simm.s32 @p0 $0x1  }
0x13: {  	[smem:$0x3FB3] =	sst s0;
	s0 =	simm.s32 @!p1 $0x0  }
0x14: {  	s2 =	sld [smem:$0x3F97];
	s0 =	simm.s32 @p1 $0x1  }
0x15: {  	[smem:$0x3FB4] =	sst s0;
	s0 =	simm.s32 @!p2 $0x0  }
0x16: {  	s3 =	sld [smem:$0x3FDB];
	s0 =	simm.s32 @p2 $0x1  }
0x17: {  	s4 =	simm.s32 $0x1BF5;
	[smem:$0x3FB6] =	sst s0  }
0x18: {  	s0 =	sld [smem:$0x3F99];
	_ =	swait.ge [sflag:s4], $0x0  }
0x19: {  	s7 =	sld [smem:$0x3F9A]  }
0x1a: {  	s8 =	sadd.s32 $0xFFFFE003, lr  }
0x1b: {  	s9 =	sadd.s32 $0xFFFFFEF7, lr;
	s5 =	simm.s32 $0xFFFFFFFF;
	p2 =	slt.u32 s8, $0xFFFFF086  }
0x1c: {  	p1 =	slt.u32 s9, $0xF7A;
	s5 =	simm.s32 @!p2 $0x0  }
0x1d: {  	s5 =	simm.s32 @p1 $0x1;
	p0 =	seq.s32 s7, s2  }
0x1e: {  	s7 =	smul.u32 @!p0 $0xF7A, s2;
	p2 =	seq.s32 @!p0 s5, $0x0  }
0x1f: {  	s9 =	smul.u32 $0xF7A, s1;
	s8 =	simm.s32 @!p0 $0x1BF5;
	p2 =	por !p2, p0  }
0x20: {  	[sflag:s8] =	ssyncset.s32 @!p0 $0xFFFFF086;
	s6 =	sadd.s32 @!p0 s3, s7;
	s7 =	simm.s32 @!p0 $0x108  }
0x21: {  	s3 =	sadd.s32 s3, s9;
	s6 =	sadd.s32 @!p0 $0x88, s6;
	s7 =	simm.s32 @p2 $0x1082  }
0x22: {  	[simem:s7], [sflag:s8] =	dma.local @!p0 [hbm:s6], $0xF7A  }
0x23: {  	s9 =	sor.u32 $0xD0000000, s2;
	s6 =	simm.s32 $0x108;
	_ =	swait.ge @!p0 [sflag:s8], $0x0  }
0x24: {  	s3 =	sadd.s32 $0x88, s3;
	s6 =	simm.s32 @!p1 $0x1082;
	[sflag:s4] =	ssyncset.s32 $0xFFFFF086  }
0x25: {  	[simem:s6], [sflag:s4] =	dma.local [hbm:s3], $0xF7A  }
0x26: {  	[smem:$0x3F9A] =	sst s1;
	(tag) =	ssettag s2;
	_ =	strace s9  }
0x27: {  	s1 =	sld [smem:$0x3FAA]  }
0x28: {  	s2 =	sld [smem:$0x3FAB]  }
0x29: {  	s4 =	sld [smem:$0x3FAD]  }
0x2a: {  	p0 =	seq.s32 s5, $0x0;
	s5 =	sld [smem:$0x3FAE]  }
0x2b: {  	s6 =	sld [smem:$0x3FAF]  }
0x2c: {  	s7 =	sld [smem:$0x3FB0]  }
0x2d: {  	s3 =	simm.s32 $0x108;
	s8 =	sld [smem:$0x3FB1]  }
0x2e: {  	s3 =	simm.s32 @!p0 $0x1082;
	s9 =	sld [smem:$0x3FB2]  }
0x2f: {  	lr =	sadd.s32 s0, s3;
	s0 =	sld [smem:$0x3FA9]  }
0x30: {  	s3 =	sld [smem:$0x3FAC]  }
0x31: {  	[smem:$0x3FB5] =	sst s10  }
0x32: {  	s10 =	sld [smem:$0x3FB3];
	_ =	sdelay $0x3  }
0x33: {  	p0 =	seq.s32 s10, $0x1;
	s10 =	sld [smem:$0x3FB5];
	_ =	sdelay $0x3  }
0x34: {  	[smem:$0x3FB5] =	sst s10  }
0x35: {  	s10 =	sld [smem:$0x3FB4];
	_ =	sdelay $0x3  }
0x36: {  	p1 =	seq.s32 s10, $0x1;
	s10 =	sld [smem:$0x3FB5];
	_ =	sdelay $0x3  }
0x37: {  	[smem:$0x3FB5] =	sst s10  }
0x38: {  	s10 =	sld [smem:$0x3FB6]  }
0x39: {  	_ = 	snop;
	(pc) =	sbr.ind lr, $3  }
0x3a: {  	_ = 	snop  }
0x3b: {  	_ = 	snop  }
0x3c: {  	p2 =	seq.s32 s10, $0x1;
	s10 =	sld [smem:$0x3FB5]  }
0x3d: {  	_ =	shalt  }
0x3e: {  	_ =	shalt  }
0x3f: {  	_ =	shalt  }
0x40: {  	_ =	shalt  }
0x41: {  	_ =	shalt  }
0x42: {  	_ =	shalt  }
0x43: {  	_ =	shalt  }
0x44: {  	_ =	shalt  }
0x45: {  	_ =	shalt  }
0x46: {  	_ =	shalt  }
0x47: {  	_ =	shalt  }
0x48: {  	_ =	shalt  }
0x49: {  	_ =	shalt  }
0x4a: {  	_ =	shalt  }
0x4b: {  	_ =	shalt  }
0x4c: {  	_ =	shalt  }
0x4d: {  	_ =	shalt  }
0x4e: {  	_ =	shalt  }
0x4f: {  	_ =	shalt  }
0x50: {  	_ =	shalt  }
0x51: {  	_ =	shalt  }
0x52: {  	_ =	shalt  }
0x53: {  	_ =	shalt  }
0x54: {  	_ =	shalt  }
0x55: {  	_ =	shalt  }
0x56: {  	_ =	shalt  }
0x57: {  	_ =	shalt  }
0x58: {  	_ =	shalt  }
0x59: {  	_ =	shalt  }
0x5a: {  	_ =	shalt  }
0x5b: {  	_ =	shalt  }
0x5c: {  	_ =	shalt  }
0x5d: {  	_ =	shalt  }
0x5e: {  	_ =	shalt  }
0x5f: {  	_ =	shalt  }
0x60: {  	_ =	shalt  }
0x61: {  	_ =	shalt  }
0x62: {  	_ =	shalt  }
0x63: {  	_ =	shalt  }
0x64: {  	_ =	shalt  }
0x65: {  	_ =	shalt  }
0x66: {  	_ =	shalt  }
0x67: {  	_ =	shalt  }
0x68: {  	_ =	shalt  }
0x69: {  	_ =	shalt  }
0x6a: {  	_ =	shalt  }
0x6b: {  	_ =	shalt  }
0x6c: {  	_ =	shalt  }
0x6d: {  	_ =	shalt  }
0x6e: {  	_ =	shalt  }
0x6f: {  	_ =	shalt  }
0x70: {  	_ =	shalt  }
0x71: {  	_ =	shalt  }
0x72: {  	_ =	shalt  }
0x73: {  	_ =	shalt  }
0x74: {  	_ =	shalt  }
0x75: {  	_ =	shalt  }
0x76: {  	_ =	shalt  }
0x77: {  	_ =	shalt  }
0x78: {  	_ =	shalt  }
0x79: {  	_ =	shalt  }
0x7a: {  	_ =	shalt  }
0x7b: {  	_ =	shalt  }
0x7c: {  	_ =	shalt  }
0x7d: {  	_ =	shalt  }
0x7e: {  	_ =	shalt  }
0x7f: {  	_ =	shalt  }
0x80: {  	_ =	shalt  }
0x81: {  	_ =	shalt  }
0x82: {  	_ =	shalt  }
0x83: {  	_ =	shalt  }
0x84: {  	_ =	shalt  }
0x85: {  	_ =	shalt  }
0x86: {  	_ =	shalt  }
0x87: {  	_ =	shalt  }
.Lfunc_end0:
.L_simem_size_0:
called_computation.1_lowered:
.L_overlay_start_0:
0x88: {  	s2 =	sld [smem:$0x3FD9]  }
0x89: {  	s3 =	sld [smem:$0x3FFE];
	_ =	sdelay $0x1  }
0x8a: {  	s1 =	srdreg.scid  }
0x8b: {  	s0 =	sand.u32 $0x1, s1  }
0x8c: {  	s16 =	sshll.u32 s0, $0xA;
	s2 =	sadd.s32 s3, s2  }
0x8d: {  	s2 =	sadd.s32 s2, s16  }
0x8e: {  	[smem:$0x3FC1] =	sst s2  }
0x8f: {  	_ = 	snop  }
0x90: {  	(tm) =	ssettm $0x1  }
0x91: {  	s17 =	sld [smem:$0x3FFB];
	_ =	sdelay $0x3  }
0x92: {  	_ =	strace s17  }
0x93: {  	s2 =	sld [smem:$0x3FFC];
	_ =	sdelay $0x3  }
0x94: {  	_ =	strace s2  }
0x95: {  	s2 =	sld [smem:$0x3FFD];
	_ =	sdelay $0x3  }
0x96: {  	_ =	strace s2  }
0x97: {  	_ =	strace $0x8FFFFFFF  }
0x98: {  	s18 =	sld [smem:$0x3FDB];
	_ =	sdelay $0x1  }
0x99: {  	s19 =	simm.s32 $_scs_section_size  }
0x9a: {  	s4 =	simm.s32 $_size__tile_overlayer_lowered;
	s5 =	simm.s32 $_tile_overlayer_lowered  }
0x9b: {  	s22 =	simm.s32 $0x1BFF;
	s21 =	sshll.u32 s5, $0x1;
	s2 =	sadd.s32 s19, s18  }
0x9c: {  	s6 =	simm.s32 $0x0;
	s20 =	sshll.u32 s4, $0x1;
	s4 =	sadd.s32 s21, s2  }
0x9d: {  	[timem:s6], [sflag:s22] =	dma.local [hbm:s4], s20  }
0x9e: {  	_ =	swait.ge [sflag:s22], s20  }
0x9f: {  	s3 =	ssub.s32 $0x0, s20;
	[sflag:s22] =	ssyncset.done $0x0  }
0xa0: {  	[sflag:s22] =	ssyncadd.s32 s3;
	_ =	sdelay $0x1  }
0xa1: {  	s23 =	simm.s32 $0x1B8B  }
0xa2: {  	_ =	swait.ge [sflag:s23], $0x1  }
0xa3: {  	[sflag:s23] =	ssyncset.done $0x0  }
0xa4: {  	s25 =	simm.s32 $0x1B8E;
	s24 =	sld [smem:$0x3FFE];
	[sflag:s23] =	ssyncadd.s32 $0xFFFFFFFF  }
0xa5: {  	s26 =	simm.s32 $execute0_lowered;
	[smem:$0x3FD2] =	sst s25  }
0xa6: {  	s4 =	sshll.u32 s26, $0x1;
	_ =	strace $0x80000049;
	[dreg:$0x1] =	wrdreg $0xFFFFFFFF  }
0xa7: {  	s28 =	simm.s32 $_size_execute0_lowered;
	s2 =	sadd.s32 s2, s4;
	[dreg:$0x0] =	wrdreg $0x0  }
0xa8: {  	s4 =	sshll.u32 s28, $0x1;
	[dreg:$0x2] =	wrdreg s2  }
0xa9: {  	[dreg:$0x3] =	wrdreg s4  }
0xaa: {  	[dreg:$0x4] =	wrdreg $0xC0  }
0xab: {  	_ =	task [dreg:s6], $0x5FFFF  }
0xac: {  	[dreg:$0x1] =	wrdreg $0xFFFFFFFF  }
0xad: {  	[dreg:$0x0] =	wrdreg $0x60  }
0xae: {  	[dreg:$0x2] =	wrdreg s24  }
0xaf: {  	[dreg:$0x3] =	wrdreg $0x82000  }
0xb0: {  	[dreg:$0x4] =	wrdreg $0x9  }
0xb1: {  	_ =	task.clear_ibuf [dreg:s6], $0x5FFFF;
	_ =	strace $0x90000049  }
0xb2: {  	s29 =	simm.s32 $0x9;
	_ =	strace $0x8000004B  }
0xb3: {  	_ =	swait.ge [sflag:s29], $0x1  }
0xb4: {  	[sflag:s29] =	ssyncadd.s32 $0xFFFFFFFF  }
0xb5: {  	_ =	strace $0x9000004B  }
0xb6: {  	_ =	sfence  }
0xb7: {  	s30 =	sld [smem:$0x0];
	_ =	sdelay $0x2  }
0xb8: {  	s31 =	sshll.u32 s1, $0xD;
	s1 =	sshrl.u32 s1, $0x2  }
0xb9: {  	s3 =	sand.u32 $0x4000, s31;
	s1 =	sadd.s32 s1, s30  }
0xba: {  	s0 =	sor.u32 s3, s0;
	s1 =	sshll.u32 s1, $0x11  }
0xbb: {  	s0 =	sor.u32 s1, s0  }
0xbc: {  	s0 =	sadd.s32 $0x8F2B, s0  }
0xbd: {  	[sflag:s0] =	ssyncadd.remote.s32 $0x1  }
0xbe: {  	_ =	sfence.sel $0xFFFF  }
0xbf: {  	[dreg:$0x0] =	wrdreg $0xFFFFFFFF;
	(pc) =	sbr.abs _section_cstart, $3  }
0xc0: {  	[dreg:$0x1] =	wrdreg $0xFFFFFFFF  }
0xc1: {  	_ =	task.clear_ibuf [dreg:s6], $0x2FFFF;
	_ =	strace $0x9FFFFFFF  }
0xc2: {  	(tm) =	ssettm $0x7FFFFFFF  }
0xc3: {  	_ =	shalt  }
tec
execute0_lowered:
.L_overlay_start_1:
0x0: {  	(tag) =	ssettag $0x1  }
0x1: {  	s6 =	rddreg [dreg:$0x0]  }
0x2: {  	s1 =	rddreg [dreg:$0x1];
	s2 =	srdreg.scid  }
0x3: {  	s0 =	rddreg [dreg:$0x2];
	s3 =	simm.s32 $0x0;
	s16 =	simm.s32 $0x100  }
0x4: {  	s17 =	simm.s32 $0x200;
	s18 =	simm.s32 $0x80;
	s19 =	simm.s32 $0x1  }
0x5: {  	s20 =	simm.s32 $0x0;
	s7 =	sand.u32 $0x1, s2;
	s2 =	stileid.u32  }
0x6: {  	[smem:$0x7FF] =	sst s3;
	s4 =	sadd.s32 $0x21200, s6;
	s8 =	smul.u32 $0x140000, s7  }
0x7: {  	s5 =	sadd.s32 $0x3200, s6;
	s9 =	smul.u32 $0x14000, s2;
	_ =	strace $0x8000004A  }
0x8: {  	s25 =	smul.u32 $0x50000, s2;
	s26 =	sshll.u32 s7, $0x4;
	s7 =	ssub.s32 $0x2, s7  }
0x9: {  	s30 =	sshll.u32 s2, $0x6;
	s28 =	sor.u32 s2, s26;
	s29 =	sshrl.u32 s7, $0x1  }
0xa: {  	s10 =	sshrl.u32 s8, $0x3;
	s11 =	sshrl.u32 s9, $0x3;
	s8 =	sadd.s32 s9, s8  }
0xb: {  	s9 =	sshrl.u32 s25, $0x2;
	s14 =	ssub.s32 s7, s29;
	s12 =	sadd.s32 s10, s6  }
0xc: {  	s24 =	sadd.s32 s11, s6;
	s8 =	sshrl.u32 s8, $0x3;
	s15 =	sadd.s32 s9, s1  }
0xd: {  	s13 =	sadd.s32 s8, s6;
	s6 =	smul.u32 $0x5000, s28;
	s7 =	sadd.s32 $0x85200, s24  }
0xe: {  	s8 =	sor.u32 $0x1C03, s30;
	s11 =	sadd.s32 $0x35200, s12;
	s12 =	sadd.s32 $0xAD200, s13  }
0xf: {  	s13 =	smax.u32 s14, $0x1;
	s14 =	sshrl.u32 s15, $0x3;
	s31 =	sshrl.u32 s6, $0x3  }
0x10: {  	s15 =	simm.s32 $0x3;
	s9 =	sadd.s32 s4, s31;
	s10 =	sadd.s32 s5, s31  }
.LBB2_1:
0x11: {  	[spmem:s14], [sflag:s8] =	dma.local [hbm:s7], $0x2800  }
0x12: {  	_ =	swait.ge [sflag:s15], $0x2800  }
0x13: {  	[sflag:s15] =	ssyncset.done $0x0  }
0x14: {  	[sflag:s15] =	ssyncadd.s32 $0xFFFFD800  }
0x15: {  	[bflag:$0x0] =	sbarrier.arrive $0xFFFF  }
0x16: {  	[tilespmem:s3], [sflag:$0x3] =	stream.linear.gather [hbm4b:s9+s3], $0x80, $0x38;
	[tilespmem:$0x1C200] =	vst v63  }
0x17: {  	_ =	swait.ge [sflag:s15], $0x80  }
0x18: {  	[sflag:s15] =	ssyncset.done $0x0  }
0x19: {  	s21 =	sand.u32 $0xFC00, s18;
	[sflag:s15] =	ssyncadd.s32 $0xFFFFFF80  }
0x1a: {  	[tilespmem:s16], [sflag:$0x3] =	stream.linear.gather [hbm4b:s10+s3], $0x80, $0x38;
	[tilespmem:$0x1C200] =	vst v63  }
0x1b: {  	s22 =	sand.u32 $0x380, s18;
	s21 =	sadd.s32 s6, s21;
	_ =	swait.ge [sflag:s15], $0x80  }
0x1c: {  	s21 =	sor.u32 s22, s21;
	[sflag:s15] =	ssyncset.done $0x0  }
0x1d: {  	s30 =	sand.u32 $0x1, s19;
	s21 =	sshrl.u32 s21, $0x3;
	[sflag:s15] =	ssyncadd.s32 $0xFFFFFF80  }
0x1e: {  	[tilespmem:s17], [sflag:$0x1] =	stream.indirect.gather [hbm4b:s11+s18], $0x80, s3, s18, $0xb8;
	[tilespmem:$0x1C200] =	vst v63  }
0x1f: {  	s23 =	sshll.u32 s30, $0x7;
	s24 =	sadd.s32 s4, s21  }
0x20: {  	[tilespmem:s23], [sflag:$0x3] =	stream.linear.gather [hbm4b:s24+s3], $0x80, $0x38;
	[tilespmem:$0x1C200] =	vst v63  }
0x21: {  	s26 =	simm.s32 $0x0;
	_ =	swait.ge [sflag:s15], $0x80  }
0x22: {  	s29 =	simm.s32 $0x100;
	s25 =	sadd.s32 $0x1, s30;
	[sflag:s15] =	ssyncset.done $0x0  }
0x23: {  	s31 =	sor.u32 $0x100, s23;
	s21 =	sadd.s32 s5, s21;
	[sflag:s15] =	ssyncadd.s32 $0xFFFFFF80  }
0x24: {  	[tilespmem:s31], [sflag:$0x3] =	stream.linear.gather [hbm4b:s21+s3], $0x80, $0x38;
	[tilespmem:$0x1C200] =	vst v63  }
0x25: {  	s22 =	sshll.u32 s30, $0xE;
	s24 =	sand.u32 $0x1, s26;
	_ =	swait.ge [sflag:s15], $0x80  }
0x26: {  	s22 =	sor.u32 $0x200, s22;
	s28 =	sadd.s32 $0x1, s24;
	[sflag:s15] =	ssyncset.done $0x0  }
0x27: {  	s30 =	sshll.u32 s24, $0x7;
	s24 =	sshll.u32 s24, $0xE;
	[sflag:s15] =	ssyncadd.s32 $0xFFFFFF80  }
0x28: {  	[tilespmem:s22], [sflag:s25] =	stream.indirect.gather [hbm4b:s11+s18], $0x80, s23, s18, $0xb8;
	[tilespmem:$0x1C200] =	vst v63  }
0x29: {  	s24 =	sor.u32 $0x200, s24;
	s21 =	simm.s32 $0x2;
	_ =	swait.ge [sflag:s28], $0x4000  }
0x2a: {  	s22 =	sor.u32 $0x100, s30;
	s25 =	sand.u32 $0xFC00, s29;
	[sflag:s28] =	ssyncset.done $0x0  }
0x2b: {  	s23 =	sand.u32 $0x380, s29;
	s31 =	sadd.s32 s6, s25;
	[sflag:s28] =	ssyncadd.s32 $0xFFFFC000  }
0x2c: {  	[spmem:s1] =	stream.indirect.scatter.add.f32 [tilespmem:s24], [sflag:$0x3], $0x80, s22, s18, $0xb8;
	[tilespmem:$0x1C200] =	vst v63  }
0x2d: {  	s23 =	sor.u32 s23, s31;
	s22 =	simm.s32 $0x180;
	_ =	swait.ge [sflag:s15], $0x4000  }
.LBB2_2:
0x2e: {  	s24 =	sand.u32 $0x1, s21  }
0x2f: {  	s23 =	sshrl.u32 s23, $0x3;
	[sflag:s15] =	ssyncset.done $0x0;
	s25 =	smov.u32 s22  }
0x30: {  	s26 =	sshll.u32 s24, $0x7;
	s28 =	sadd.s32 s4, s23;
	[sflag:s15] =	ssyncadd.s32 $0xFFFFC000  }
0x31: {  	[tilespmem:s26], [sflag:$0x3] =	stream.linear.gather [hbm4b:s28+s3], $0x80, $0x38;
	[tilespmem:$0x1C200] =	vst v63  }
0x32: {  	p0 =	sne.s32 s22, $0x4E00;
	s22 =	sadd.s32 $0x80, s22;
	_ =	swait.ge [sflag:s15], $0x80  }
0x33: {  	[sflag:s15] =	ssyncset.done $0x0  }
0x34: {  	s23 =	sadd.s32 s5, s23;
	s28 =	sor.u32 $0x100, s26;
	[sflag:s15] =	ssyncadd.s32 $0xFFFFFF80  }
0x35: {  	[tilespmem:s28], [sflag:$0x3] =	stream.linear.gather [hbm4b:s23+s3], $0x80, $0x38;
	[tilespmem:$0x1C200] =	vst v63  }
0x36: {  	s23 =	sadd.s32 $0x1, s24;
	_ =	swait.ge [sflag:s15], $0x80  }
0x37: {  	s28 =	sadd.s32 $0xFFFFFFFF, s21;
	s24 =	sshll.u32 s24, $0xE;
	[sflag:s15] =	ssyncset.done $0x0  }
0x38: {  	s28 =	sand.u32 $0x1, s28;
	s24 =	sor.u32 $0x200, s24;
	[sflag:s15] =	ssyncadd.s32 $0xFFFFFF80  }
0x39: {  	[tilespmem:s24], [sflag:s23] =	stream.indirect.gather [hbm4b:s11+s18], $0x80, s26, s18, $0xb8;
	[tilespmem:$0x1C200] =	vst v63  }
0x3a: {  	s23 =	sshll.u32 s28, $0xE;
	s24 =	sadd.s32 $0x1, s28;
	s26 =	sshll.u32 s28, $0x7  }
.Ltmp0:
0x3b: {  	s26 =	sor.u32 $0x100, s26;
	_ =	swait.ge [sflag:s24], $0x4000;
	(pc) =	sbr.rel @p0 .LBB2_2-.Ltmp0, $4  }
0x3c: {  	s28 =	sand.u32 $0xFC00, s25;
	s23 =	sor.u32 $0x200, s23;
	[sflag:s24] =	ssyncset.done $0x0  }
0x3d: {  	s25 =	sand.u32 $0x380, s25;
	s28 =	sadd.s32 s6, s28;
	[sflag:s24] =	ssyncadd.s32 $0xFFFFC000  }
0x3e: {  	[spmem:s1] =	stream.indirect.scatter.add.f32 [tilespmem:s23], [sflag:$0x3], $0x80, s26, s18, $0xb8;
	[tilespmem:$0x1C200] =	vst v63  }
0x3f: {  	s21 =	sadd.s32 $0x1, s21;
	s23 =	sor.u32 s25, s28;
	_ =	swait.ge [sflag:s15], $0x4000  }
0x40: {  	s22 =	sand.u32 $0x1, s21;
	s23 =	sshrl.u32 s23, $0x3;
	[sflag:s15] =	ssyncset.done $0x0  }
0x41: {  	s24 =	sshll.u32 s22, $0x7;
	s25 =	sadd.s32 s4, s23;
	[sflag:s15] =	ssyncadd.s32 $0xFFFFC000  }
0x42: {  	[tilespmem:s24], [sflag:$0x3] =	stream.linear.gather [hbm4b:s25+s3], $0x80, $0x38;
	[tilespmem:$0x1C200] =	vst v63  }
0x43: {  	_ =	swait.ge [sflag:s15], $0x80  }
0x44: {  	[sflag:s15] =	ssyncset.done $0x0  }
0x45: {  	s23 =	sadd.s32 s5, s23;
	s26 =	sor.u32 $0x100, s24;
	[sflag:s15] =	ssyncadd.s32 $0xFFFFFF80  }
0x46: {  	[tilespmem:s26], [sflag:$0x3] =	stream.linear.gather [hbm4b:s23+s3], $0x80, $0x38;
	[tilespmem:$0x1C200] =	vst v63  }
0x47: {  	s29 =	sadd.s32 $0xFFFFFFFF, s21;
	s28 =	sadd.s32 $0x1, s22;
	_ =	swait.ge [sflag:s15], $0x80  }
0x48: {  	s22 =	sshll.u32 s22, $0xE;
	s21 =	sand.u32 $0x1, s29;
	[sflag:s15] =	ssyncset.done $0x0  }
0x49: {  	s22 =	sor.u32 $0x200, s22;
	s30 =	sadd.s32 $0x1, s21;
	[sflag:s15] =	ssyncadd.s32 $0xFFFFFF80  }
0x4a: {  	[tilespmem:s22], [sflag:s28] =	stream.indirect.gather [hbm4b:s11+s18], $0x80, s24, s18, $0xb8;
	[tilespmem:$0x1C200] =	vst v63  }
0x4b: {  	_ =	swait.ge [sflag:s30], $0x4000  }
0x4c: {  	s31 =	sshll.u32 s21, $0xE;
	s21 =	sshll.u32 s21, $0x7;
	[sflag:s30] =	ssyncset.done $0x0  }
0x4d: {  	s21 =	sor.u32 $0x100, s21;
	s23 =	sor.u32 $0x200, s31;
	[sflag:s30] =	ssyncadd.s32 $0xFFFFC000  }
0x4e: {  	[spmem:s1] =	stream.indirect.scatter.add.f32 [tilespmem:s23], [sflag:$0x3], $0x80, s21, s18, $0xb8;
	[tilespmem:$0x1C200] =	vst v63  }
0x4f: {  	_ =	swait.ge [sflag:s15], $0x4000  }
0x50: {  	[sflag:s15] =	ssyncset.done $0x0  }
0x51: {  	[sflag:s15] =	ssyncadd.s32 $0xFFFFC000  }
0x52: {  	_ =	swait.ge [sflag:s19], $0x4000  }
0x53: {  	[sflag:s19] =	ssyncset.done $0x0  }
0x54: {  	[sflag:s19] =	ssyncadd.s32 $0xFFFFC000  }
0x55: {  	[spmem:s1] =	stream.indirect.scatter.add.f32 [tilespmem:s17], [sflag:$0x3], $0x80, s16, s18, $0xb8;
	[tilespmem:$0x1C200] =	vst v63  }
0x56: {  	_ =	swait.ge [sflag:s15], $0x4000  }
0x57: {  	s20 =	sadd.s32 $0x1, s20;
	[sflag:s15] =	ssyncset.done $0x0  }
0x58: {  	p0 =	sne.s32 s20, s13;
	[sflag:s15] =	ssyncadd.s32 $0xFFFFC000  }
.Ltmp1:
0x59: {  	[bflag:$0x0] =	sbarrier.arrive $0xFFFF;
	(pc) =	sbr.rel @p0 .LBB2_1-.Ltmp1, $4  }
0x5a: {  	[hbm:s12], [sflag:s8] =	dma.local [spmem:s14], $0x2800  }
0x5b: {  	_ =	swait.ge [sflag:s15], $0x2800  }
0x5c: {  	[sflag:s15] =	ssyncset.done $0x0  }
0x5d: {  	[sflag:s15] =	ssyncadd.s32 $0xFFFFD800  }
0x5e: {  	_ =	sfence.sel $0x180000  }
0x5f: {  	[bflag:$0x0] =	sbarrier.arrive $0xFFFF  }
0x60: {  	p0 =	sne.s32 s2, $0x0;
	_ =	strace $0x9000004A  }
0x61: {  	s0 =	sadd.s32 @!p0 $0x100000, s0;
	[bflag:$0x2] =	sbarrier.arrive $0xFFFF  }
0x62: {  	[sflag:s0] =	ssyncadd.tile.s32 @!p0 $0x1;
	_ =	shalt  }
.Lfunc_end2:
_tile_overlayer_lowered:
.L_overlay_start_2:
0x63: {  	(tag) =	ssettag $0x2  }
0x64: {  	s0 =	rddreg [dreg:$0x0];
	s2 =	stileid.u32  }
0x65: {  	s1 =	rddreg [dreg:$0x1];
	p0 =	sne.s32 s2, $0x0  }
0x66: {  	s3 =	rddreg [dreg:$0x2];
	[bflag:$0x3] =	sbarrier.arrive $0xFFFF;
	s2 =	simm.s32 @!p0 $0x1C03  }
0x67: {  	[timem:s3], [sflag:s2] =	dma.local @!p0 [hbm:s0], s1  }
0x68: {  	s0 =	simm.s32 @!p0 $0x3  }
0x69: {  	_ =	swait.ge @!p0 [sflag:s0], s1  }
0x6a: {  	s1 =	ssub.s32 @!p0 $0x0, s1;
	[sflag:s0] =	ssyncset.done @!p0 $0x0  }
0x6b: {  	[sflag:s0] =	ssyncadd.s32 @!p0 s1  }
0x6c: {  	[bflag:$0x3] =	sbarrier.arrive $0xFFFF  }
0x6d: {  	_ =	shalt  }

</sc_bundles>
